<compile_context>
chip_gen: v7x
topology: tpu7x:2x2x1
jax: 0.10.2.dev20260603
libtpu: 0.0.44.dev20260713+nightly
codegen_flags: <defaults>
</compile_context>

<pallas_src>
import functools

import jax
import jax.numpy as jnp
from jax import lax
from jax.experimental import pallas as pl
from jax.experimental.pallas import tpu as pltpu
from jax.experimental.pallas import tpu_sc as plsc

N = 10000
E = 320000
D = 128
DH = D // 2
G = 64
NL = 2
NC = 2
NS = 16
CHUNK = 128
CPW = 160
E_PAD = NS * CPW * CHUNK
AGG_ROWS = 10240
ZRPT = AGG_ROWS // NS
NBUF = 4


def _sc_segment_sum(z_cat, src_c, dst_c):
    mesh = plsc.VectorSubcoreMesh(core_axis_name="c", subcore_axis_name="s")

    @functools.partial(
        pl.kernel,
        out_type=jax.ShapeDtypeStruct((NC, AGG_ROWS, DH), jnp.float32),
        mesh=mesh,
        compiler_params=pltpu.CompilerParams(use_tc_tiling_on_sc=False),
        scratch_types=[
            pltpu.VMEM((CPW, CHUNK), jnp.int32),
            pltpu.VMEM((CPW, CHUNK), jnp.int32),
            pltpu.VMEM((NBUF, CHUNK, DH), jnp.float32),
            pltpu.VMEM_SHARED((AGG_ROWS, DH), jnp.float32),
            [pltpu.SemaphoreType.DMA] * NBUF,
            [pltpu.SemaphoreType.DMA] * NBUF,
        ],
    )
    def k(z_hbm, src_hbm, dst_hbm, out_hbm, src_v, dst_v, rows_v, agg_sh,
          gsems, ssems):
        c = lax.axis_index("c")
        s = lax.axis_index("s")

        pltpu.sync_copy(src_hbm.at[c, s], src_v)
        pltpu.sync_copy(dst_hbm.at[s], dst_v)

        zero = jnp.zeros((16,), jnp.float32)

        def zrow(i, carry):
            for j in range(DH // 16):
                rows_v[0, i, pl.ds(j * 16, 16)] = zero
            return carry

        lax.fori_loop(0, CHUNK, zrow, 0)
        for off in range(0, ZRPT, CHUNK):
            pltpu.sync_copy(rows_v.at[0],
                            agg_sh.at[pl.ds(s * ZRPT + off, CHUNK)])
        plsc.subcore_barrier()

        def gather(j, b):
            pltpu.async_copy(z_hbm.at[src_v.at[j]], rows_v.at[b], gsems[b])

        def gather_wait(j, b):
            pltpu.make_async_copy(
                z_hbm.at[src_v.at[j]], rows_v.at[b], gsems[b]).wait()

        def scatter(j, b):
            pltpu.async_copy(
                rows_v.at[b], agg_sh.at[dst_v.at[j]], ssems[b], add=True)

        def scatter_wait(j, b):
            pltpu.make_async_copy(
                rows_v.at[b], agg_sh.at[dst_v.at[j]], ssems[b]).wait()

        for b in range(NBUF):
            gather(b, b)
        n_it = CPW // NBUF

        def body(i, carry):
            for b in range(NBUF):
                j = i * NBUF + b
                gather_wait(j, b)
                scatter(j, b)
                scatter_wait(j, b)

                @pl.when(i < n_it - 1)
                def _():
                    gather(j + NBUF, b)
            return carry

        lax.fori_loop(0, n_it, body, 0)
        plsc.subcore_barrier()

        for off in range(0, ZRPT, CHUNK):
            base = s * ZRPT + off
            pltpu.sync_copy(agg_sh.at[pl.ds(base, CHUNK)], rows_v.at[0])
            pltpu.sync_copy(rows_v.at[0], out_hbm.at[c, pl.ds(base, CHUNK)])

    return k(z_cat, src_c, dst_c)


BLK = 5000


def _tc_linear_stats(z, p, W, b, eps2d):

    def body(z_ref, p_ref, w_ref, b_ref, e_ref, h_ref, s1_ref, s2_ref):
        i = pl.program_id(0)
        zb = jnp.concatenate([z_ref[0], z_ref[1]], axis=1)
        pb = jnp.concatenate([p_ref[0], p_ref[1]], axis=1)
        pre = (1.0 + e_ref[0, 0]) * zb + pb
        h = lax.dot_general(pre, w_ref[...], (((1,), (1,)), ((), ())),
                            precision=lax.Precision.HIGHEST,
                            preferred_element_type=jnp.float32)
        h = jnp.maximum(h + b_ref[...], 0.0)
        h_ref[...] = h

        @pl.when(i == 0)
        def _():
            s1_ref[...] = jnp.zeros_like(s1_ref)
            s2_ref[...] = jnp.zeros_like(s2_ref)

        s1_ref[...] += jnp.sum(h, axis=0)[None]
        s2_ref[...] += jnp.sum(h * h, axis=0)[None]

    return pl.pallas_call(
        body,
        grid=(N // BLK,),
        in_specs=[
            pl.BlockSpec((2, BLK, DH), lambda i: (0, i, 0)),
            pl.BlockSpec((2, BLK, DH), lambda i: (0, i, 0)),
            pl.BlockSpec((D, D), lambda i: (0, 0)),
            pl.BlockSpec((1, D), lambda i: (0, 0)),
            pl.BlockSpec((1, 1), lambda i: (0, 0)),
        ],
        out_specs=[
            pl.BlockSpec((BLK, D), lambda i: (i, 0)),
            pl.BlockSpec((1, D), lambda i: (0, 0)),
            pl.BlockSpec((1, D), lambda i: (0, 0)),
        ],
        out_shape=[
            jax.ShapeDtypeStruct((N, D), jnp.float32),
            jax.ShapeDtypeStruct((1, D), jnp.float32),
            jax.ShapeDtypeStruct((1, D), jnp.float32),
        ],
    )(z, p, W, b, eps2d)


def _tc_bn_pool(h, s1, s2, gamma, beta, onehot):

    def body(h_ref, s1_ref, s2_ref, g_ref, be_ref, oh_ref, z_ref, gout_ref):
        i = pl.program_id(0)
        mean = s1_ref[...] / N
        var = s2_ref[...] / N - mean * mean
        invstd = lax.rsqrt(var + 1e-5)
        z = (h_ref[...] - mean) * (invstd * g_ref[...]) + be_ref[...]
        z_ref[0] = z[:, :DH]
        z_ref[1] = z[:, DH:]

        @pl.when(i == 0)
        def _():
            gout_ref[...] = jnp.zeros_like(gout_ref)

        gout_ref[...] += lax.dot_general(
            oh_ref[...], z, (((0,), (0,)), ((), ())),
            precision=lax.Precision.HIGHEST,
            preferred_element_type=jnp.float32)

    return pl.pallas_call(
        body,
        grid=(N // BLK,),
        in_specs=[
            pl.BlockSpec((BLK, D), lambda i: (i, 0)),
            pl.BlockSpec((1, D), lambda i: (0, 0)),
            pl.BlockSpec((1, D), lambda i: (0, 0)),
            pl.BlockSpec((1, D), lambda i: (0, 0)),
            pl.BlockSpec((1, D), lambda i: (0, 0)),
            pl.BlockSpec((BLK, G), lambda i: (i, 0)),
        ],
        out_specs=[
            pl.BlockSpec((2, BLK, DH), lambda i: (0, i, 0)),
            pl.BlockSpec((G, D), lambda i: (0, 0)),
        ],
        out_shape=[
            jax.ShapeDtypeStruct((2, N, DH), jnp.float32),
            jax.ShapeDtypeStruct((G, D), jnp.float32),
        ],
    )(h, s1, s2, gamma, beta, onehot)


def kernel(x, edge_index, batch, W0, b0, eps0, g0, be0, W1, b1, eps1, g1, be1):
    npad = E_PAD - E
    pad_src = (jnp.arange(npad, dtype=jnp.int32) * 7) % N
    pad_dst = N + (jnp.arange(npad, dtype=jnp.int32) % (AGG_ROWS - N))
    src_p = jnp.concatenate([edge_index[0], pad_src])
    src_c = jnp.stack([src_p, src_p + N]).reshape(NC, NS, CPW, CHUNK)
    dst_c = jnp.concatenate([edge_index[1], pad_dst]).reshape(NS, CPW, CHUNK)

    onehot = (batch[:, None] == jnp.arange(G, dtype=batch.dtype)[None, :]
              ).astype(jnp.float32)

    x_split = jnp.stack([x[:, :DH], x[:, DH:]])

    Ws = jnp.stack([W0, W1])
    bs = jnp.stack([b0[None], b1[None]])
    epss = jnp.stack([jnp.reshape(eps0, (1, 1)), jnp.reshape(eps1, (1, 1))])
    gammas = jnp.stack([g0[None], g1[None]])
    betas = jnp.stack([be0[None], be1[None]])

    def step(z, params):
        W, b, eps2d, gamma, beta = params
        p = _sc_segment_sum(z.reshape(NC * N, DH), src_c, dst_c)
        h, s1, s2 = _tc_linear_stats(z, p, W, b, eps2d)
        z_next, gr = _tc_bn_pool(h, s1, s2, gamma, beta, onehot)
        return z_next, (z_next, gr)

    _, (zs, grs) = lax.scan(step, x_split, (Ws, bs, epss, gammas, betas))

    z_out = jnp.concatenate([zs[0, 0], zs[0, 1], zs[1, 0], zs[1, 1]], axis=1)
    g_out = jnp.concatenate([grs[0], grs[1]], axis=1)
    return (z_out, g_out)

# --- scband reference (transcript-rebuilt; emitter-appended) ---
"""Pipeline reference for scband-gconv-5471788335164 (READ-ONLY COPY).

The authoritative reference and input builder live on the scoring server;
editing this copy changes nothing except your own understanding.
"""

import jax, jax.numpy as jnp
import numpy as np

N_NODES = 10000
N_EDGES = 320000
D_IN = 128
D_HID = 128
NUM_LAYERS = 2
NUM_GRAPHS = 64


def setup_inputs(seed: int = 0) -> dict:
    key = jax.random.key(seed)
    ks = jax.random.split(key, 16)
    x = jax.random.normal(ks[0], (N_NODES, D_IN), dtype=jnp.float32)
    edge_index = jax.random.randint(ks[1], (2, N_EDGES), 0, N_NODES, dtype=jnp.int64 if jax.config.jax_enable_x64 else jnp.int32).astype(jnp.int32)
    batch = jnp.sort(jax.random.randint(ks[2], (N_NODES,), 0, NUM_GRAPHS, dtype=jnp.int32))
    # layer 0 params
    W0 = jax.random.normal(ks[3], (D_HID, D_IN), dtype=jnp.float32) * (1.0 / np.sqrt(D_IN))
    b0 = jnp.zeros((D_HID,), dtype=jnp.float32)
    eps0 = jnp.zeros((), dtype=jnp.float32)
    g0 = jnp.ones((D_HID,), dtype=jnp.float32)
    be0 = jnp.zeros((D_HID,), dtype=jnp.float32)
    # layer 1 params
    W1 = jax.random.normal(ks[4], (D_HID, D_HID), dtype=jnp.float32) * (1.0 / np.sqrt(D_HID))
    b1 = jnp.zeros((D_HID,), dtype=jnp.float32)
    eps1 = jnp.zeros((), dtype=jnp.float32)
    g1 = jnp.ones((D_HID,), dtype=jnp.float32)
    be1 = jnp.zeros((D_HID,), dtype=jnp.float32)
    return {"x": x, "edge_index": edge_index, "batch": batch,
            "W0": W0, "b0": b0, "eps0": eps0, "g0": g0, "be0": be0,
            "W1": W1, "b1": b1, "eps1": eps1, "g1": g1, "be1": be1}


def _gin_layer(z, src, dst, n_nodes, W, b, eps, gamma, beta):
    # GINConv: mlp((1+eps)*x + sum_{j->i} x_j), mlp = single Linear
    agg = jax.ops.segment_sum(z[src], dst, num_segments=n_nodes)
    h = (1.0 + eps) * z + agg
    h = h @ W.T + b
    h = jax.nn.relu(h)
    # BatchNorm1d (training mode, biased variance, eps=1e-5)
    mean = jnp.mean(h, axis=0)
    var = jnp.mean((h - mean) ** 2, axis=0)
    h = (h - mean) / jnp.sqrt(var + 1e-5) * gamma + beta
    return h


def reference(x, edge_index, batch, W0, b0, eps0, g0, be0, W1, b1, eps1, g1, be1):
    src = edge_index[0]
    dst = edge_index[1]
    n_nodes = x.shape[0]
    z = x
    zs = []
    for (W, b, eps, gamma, beta) in [(W0, b0, eps0, g0, be0), (W1, b1, eps1, g1, be1)]:
        z = _gin_layer(z, src, dst, n_nodes, W, b, eps, gamma, beta)
        zs.append(z)
    gs = [jax.ops.segment_sum(zz, batch, num_segments=NUM_GRAPHS) for zz in zs]
    z_out = jnp.concatenate(zs, axis=1)
    g_out = jnp.concatenate(gs, axis=1)
    return (z_out, g_out)

if __name__ == "__main__":
    import jax
    _d = setup_inputs()
    print(jax.jit(kernel)(*tuple(_d.values())))

</pallas_src>

<mosaic_0001>
#map = affine_map<(d0, d1) -> (0, 0)>
#map1 = affine_map<(d0, d1) -> (0, 0, 0, 0)>
#map2 = affine_map<(d0, d1) -> (0, 0, 0)>
module attributes {stable_mosaic.version = 14 : i64} {
  func.func @k(%arg0: i32, %arg1: i32, %arg2: memref<20000x64xf32, #tpu.memory_space<hbm>>, %arg3: memref<2x16x160x128xi32, #tpu.memory_space<hbm>>, %arg4: memref<16x160x128xi32, #tpu.memory_space<hbm>>, %arg5: memref<2x10240x64xf32, #tpu.memory_space<hbm>>, %arg6: memref<160x128xi32, #tpu.memory_space<vmem>>, %arg7: memref<160x128xi32, #tpu.memory_space<vmem>>, %arg8: memref<4x128x64xf32, #tpu.memory_space<vmem>>, %arg9: memref<10240x64xf32, #tpu.memory_space<vmem_shared>>, %arg10: memref<!tpu.dma_semaphore, #tpu.memory_space<semaphore_mem>>, %arg11: memref<!tpu.dma_semaphore, #tpu.memory_space<semaphore_mem>>, %arg12: memref<!tpu.dma_semaphore, #tpu.memory_space<semaphore_mem>>, %arg13: memref<!tpu.dma_semaphore, #tpu.memory_space<semaphore_mem>>, %arg14: memref<!tpu.dma_semaphore, #tpu.memory_space<semaphore_mem>>, %arg15: memref<!tpu.dma_semaphore, #tpu.memory_space<semaphore_mem>>, %arg16: memref<!tpu.dma_semaphore, #tpu.memory_space<semaphore_mem>>, %arg17: memref<!tpu.dma_semaphore, #tpu.memory_space<semaphore_mem>>) attributes {dimension_semantics = [#tpu.dimension_semantics<core_parallel>, #tpu.dimension_semantics<subcore_parallel>], iteration_bounds = array<i64: 2, 16>, scalar_prefetch = 0 : i64, scratch_operands = 12 : i64, tpu.core_type = #tpu.core_type<sc_vector_subcore>, window_params = [{transform_indices = #map}, {transform_indices = #map1}, {transform_indices = #map2}, {transform_indices = #map2}]} {
    "tpu.region"() ({
      %run_scoped3A_112 = tpu.sem_alloc : memref<!tpu.dma_semaphore, #tpu.memory_space<semaphore_mem>>
      %dma_start3A_113 = arith.constant 0 : i32
      %dma_start3A_114 = arith.constant 0 : i32
      %dma_start3A_115 = tpu.memref_slice %arg3[%arg0, %arg1, %dma_start3A_113, %dma_start3A_114] : memref<2x16x160x128xi32, #tpu.memory_space<hbm>> -> memref<1x1x160x128xi32, #tpu.memory_space<hbm>>
      %dma_start3A_116 = tpu.memref_squeeze %dma_start3A_115 : memref<1x1x160x128xi32, #tpu.memory_space<hbm>> -> memref<160x128xi32, #tpu.memory_space<hbm>>
      %dma_start3A_117 = arith.constant 0 : i32
      %dma_start3A_118 = arith.constant 0 : i32
      %dma_start3A_119 = tpu.memref_slice %arg3[%arg0, %arg1, %dma_start3A_117, %dma_start3A_118] : memref<2x16x160x128xi32, #tpu.memory_space<hbm>> -> memref<1x1x160x128xi32, #tpu.memory_space<hbm>>
      %dma_start3A_120 = tpu.memref_squeeze %dma_start3A_119 : memref<1x1x160x128xi32, #tpu.memory_space<hbm>> -> memref<160x128xi32, #tpu.memory_space<hbm>>
      tpu.enqueue_dma source(%dma_start3A_120 : memref<160x128xi32, #tpu.memory_space<hbm>>) target(%arg6 : memref<160x128xi32, #tpu.memory_space<vmem>>) target_semaphore(%run_scoped3A_112 : memref<!tpu.dma_semaphore, #tpu.memory_space<semaphore_mem>>)
      %dma_wait3A = arith.constant 0 : i32
      %dma_wait3A_121 = arith.constant 0 : i32
      %dma_wait3A_122 = tpu.memref_slice %arg3[%arg0, %arg1, %dma_wait3A, %dma_wait3A_121] : memref<2x16x160x128xi32, #tpu.memory_space<hbm>> -> memref<1x1x160x128xi32, #tpu.memory_space<hbm>>
      %dma_wait3A_123 = tpu.memref_squeeze %dma_wait3A_122 : memref<1x1x160x128xi32, #tpu.memory_space<hbm>> -> memref<160x128xi32, #tpu.memory_space<hbm>>
      %dma_wait3A_124 = arith.constant 0 : i32
      %dma_wait3A_125 = arith.constant 0 : i32
      %dma_wait3A_126 = tpu.memref_slice %arg3[%arg0, %arg1, %dma_wait3A_124, %dma_wait3A_125] : memref<2x16x160x128xi32, #tpu.memory_space<hbm>> -> memref<1x1x160x128xi32, #tpu.memory_space<hbm>>
      %dma_wait3A_127 = tpu.memref_squeeze %dma_wait3A_126 : memref<1x1x160x128xi32, #tpu.memory_space<hbm>> -> memref<160x128xi32, #tpu.memory_space<hbm>>
      tpu.wait_dma2 semaphore(%run_scoped3A_112 : memref<!tpu.dma_semaphore, #tpu.memory_space<semaphore_mem>>) src(%dma_wait3A_127 : memref<160x128xi32, #tpu.memory_space<hbm>>) dst(%arg6 : memref<160x128xi32, #tpu.memory_space<vmem>>)
      tpu.yield
    }) : () -> ()
    "tpu.region"() ({
      %run_scoped3A_112 = tpu.sem_alloc : memref<!tpu.dma_semaphore, #tpu.memory_space<semaphore_mem>>
      %dma_start3A_113 = arith.constant 0 : i32
      %dma_start3A_114 = arith.constant 0 : i32
      %dma_start3A_115 = tpu.memref_slice %arg4[%arg1, %dma_start3A_113, %dma_start3A_114] : memref<16x160x128xi32, #tpu.memory_space<hbm>> -> memref<1x160x128xi32, #tpu.memory_space<hbm>>
      %dma_start3A_116 = tpu.memref_squeeze %dma_start3A_115 : memref<1x160x128xi32, #tpu.memory_space<hbm>> -> memref<160x128xi32, #tpu.memory_space<hbm>>
      %dma_start3A_117 = arith.constant 0 : i32
      %dma_start3A_118 = arith.constant 0 : i32
      %dma_start3A_119 = tpu.memref_slice %arg4[%arg1, %dma_start3A_117, %dma_start3A_118] : memref<16x160x128xi32, #tpu.memory_space<hbm>> -> memref<1x160x128xi32, #tpu.memory_space<hbm>>
      %dma_start3A_120 = tpu.memref_squeeze %dma_start3A_119 : memref<1x160x128xi32, #tpu.memory_space<hbm>> -> memref<160x128xi32, #tpu.memory_space<hbm>>
      tpu.enqueue_dma source(%dma_start3A_120 : memref<160x128xi32, #tpu.memory_space<hbm>>) target(%arg7 : memref<160x128xi32, #tpu.memory_space<vmem>>) target_semaphore(%run_scoped3A_112 : memref<!tpu.dma_semaphore, #tpu.memory_space<semaphore_mem>>)
      %dma_wait3A = arith.constant 0 : i32
      %dma_wait3A_121 = arith.constant 0 : i32
      %dma_wait3A_122 = tpu.memref_slice %arg4[%arg1, %dma_wait3A, %dma_wait3A_121] : memref<16x160x128xi32, #tpu.memory_space<hbm>> -> memref<1x160x128xi32, #tpu.memory_space<hbm>>
      %dma_wait3A_123 = tpu.memref_squeeze %dma_wait3A_122 : memref<1x160x128xi32, #tpu.memory_space<hbm>> -> memref<160x128xi32, #tpu.memory_space<hbm>>
      %dma_wait3A_124 = arith.constant 0 : i32
      %dma_wait3A_125 = arith.constant 0 : i32
      %dma_wait3A_126 = tpu.memref_slice %arg4[%arg1, %dma_wait3A_124, %dma_wait3A_125] : memref<16x160x128xi32, #tpu.memory_space<hbm>> -> memref<1x160x128xi32, #tpu.memory_space<hbm>>
      %dma_wait3A_127 = tpu.memref_squeeze %dma_wait3A_126 : memref<1x160x128xi32, #tpu.memory_space<hbm>> -> memref<160x128xi32, #tpu.memory_space<hbm>>
      tpu.wait_dma2 semaphore(%run_scoped3A_112 : memref<!tpu.dma_semaphore, #tpu.memory_space<semaphore_mem>>) src(%dma_wait3A_127 : memref<160x128xi32, #tpu.memory_space<hbm>>) dst(%arg7 : memref<160x128xi32, #tpu.memory_space<vmem>>)
      tpu.yield
    }) : () -> ()
    %broadcast_in_dim3A = arith.constant 0.000000e+00 : f32
    %broadcast_in_dim3A_0 = vector.broadcast %broadcast_in_dim3A : f32 to vector<16xf32>
    %scan3A = arith.constant 0 : i32
    %scan3A_1 = arith.constant 0 : i32
    %scan3A_2 = arith.constant 128 : i32
    %scan3A_3 = arith.addi %scan3A_1, %scan3A_2 : i32
    %scan3A_4 = arith.constant 1 : i32
    scf.for %scan3A_112 = %scan3A_1 to %scan3A_3 step %scan3A_4  : i32 {
      %swap3A = arith.constant 0 : i32
      %swap3A_113 = arith.index_cast %swap3A : i32 to index
      %swap3A_114 = arith.index_cast %scan3A_112 : i32 to index
      %swap3A_115 = arith.constant 0 : index
      %swap3A_116 = tpu.vector_load %arg8[%swap3A_113, %swap3A_114, %swap3A_115] {strides = array<i32>} : memref<4x128x64xf32, #tpu.memory_space<vmem>>, vector<1x1x16xf32>,
      %swap3A_117 = vector.shape_cast %swap3A_116 : vector<1x1x16xf32> to vector<16xf32>
      %swap3A_118 = vector.shape_cast %broadcast_in_dim3A_0 : vector<16xf32> to vector<1x1x16xf32>
      tpu.vector_store %arg8[%swap3A_113, %swap3A_114, %swap3A_115], %swap3A_118 {strides = array<i32>} : memref<4x128x64xf32, #tpu.memory_space<vmem>>, vector<1x1x16xf32>,
      %swap3A_119 = arith.constant 0 : i32
      %swap3A_120 = arith.index_cast %swap3A_119 : i32 to index
      %swap3A_121 = arith.index_cast %scan3A_112 : i32 to index
      %swap3A_122 = arith.constant 16 : index
      %swap3A_123 = tpu.vector_load %arg8[%swap3A_120, %swap3A_121, %swap3A_122] {strides = array<i32>} : memref<4x128x64xf32, #tpu.memory_space<vmem>>, vector<1x1x16xf32>,
      %swap3A_124 = vector.shape_cast %swap3A_123 : vector<1x1x16xf32> to vector<16xf32>
      %swap3A_125 = vector.shape_cast %broadcast_in_dim3A_0 : vector<16xf32> to vector<1x1x16xf32>
      tpu.vector_store %arg8[%swap3A_120, %swap3A_121, %swap3A_122], %swap3A_125 {strides = array<i32>} : memref<4x128x64xf32, #tpu.memory_space<vmem>>, vector<1x1x16xf32>,
      %swap3A_126 = arith.constant 0 : i32
      %swap3A_127 = arith.index_cast %swap3A_126 : i32 to index
      %swap3A_128 = arith.index_cast %scan3A_112 : i32 to index
      %swap3A_129 = arith.constant 32 : index
      %swap3A_130 = tpu.vector_load %arg8[%swap3A_127, %swap3A_128, %swap3A_129] {strides = array<i32>} : memref<4x128x64xf32, #tpu.memory_space<vmem>>, vector<1x1x16xf32>,
      %swap3A_131 = vector.shape_cast %swap3A_130 : vector<1x1x16xf32> to vector<16xf32>
      %swap3A_132 = vector.shape_cast %broadcast_in_dim3A_0 : vector<16xf32> to vector<1x1x16xf32>
      tpu.vector_store %arg8[%swap3A_127, %swap3A_128, %swap3A_129], %swap3A_132 {strides = array<i32>} : memref<4x128x64xf32, #tpu.memory_space<vmem>>, vector<1x1x16xf32>,
      %swap3A_133 = arith.constant 0 : i32
      %swap3A_134 = arith.index_cast %swap3A_133 : i32 to index
      %swap3A_135 = arith.index_cast %scan3A_112 : i32 to index
      %swap3A_136 = arith.constant 48 : index
      %swap3A_137 = tpu.vector_load %arg8[%swap3A_134, %swap3A_135, %swap3A_136] {strides = array<i32>} : memref<4x128x64xf32, #tpu.memory_space<vmem>>, vector<1x1x16xf32>,
      %swap3A_138 = vector.shape_cast %swap3A_137 : vector<1x1x16xf32> to vector<16xf32>
      %swap3A_139 = vector.shape_cast %broadcast_in_dim3A_0 : vector<16xf32> to vector<1x1x16xf32>
      tpu.vector_store %arg8[%swap3A_134, %swap3A_135, %swap3A_136], %swap3A_139 {strides = array<i32>} : memref<4x128x64xf32, #tpu.memory_space<vmem>>, vector<1x1x16xf32>,
    }
    %scan3A_5 = arith.constant 128 : i32
    %mul3A = arith.constant 640 : i32
    %mul3A_6 = arith.muli %arg1, %mul3A : i32
    %add3A = arith.constant 0 : i32
    %add3A_7 = arith.addi %mul3A_6, %add3A : i32
    %run_scoped3A = arith.constant 0 : i32
    "tpu.region"() ({
      %run_scoped3A_112 = tpu.sem_alloc : memref<!tpu.dma_semaphore, #tpu.memory_space<semaphore_mem>>
      %dma_start3A_113 = arith.constant 0 : i32
      %dma_start3A_114 = arith.constant 0 : i32
      %dma_start3A_115 = tpu.memref_slice %arg8[%run_scoped3A, %dma_start3A_113, %dma_start3A_114] : memref<4x128x64xf32, #tpu.memory_space<vmem>> -> memref<1x128x64xf32, #tpu.memory_space<vmem>>
      %dma_start3A_116 = tpu.memref_squeeze %dma_start3A_115 : memref<1x128x64xf32, #tpu.memory_space<vmem>> -> memref<128x64xf32, #tpu.memory_space<vmem>>
      %dma_start3A_117 = arith.constant 0 : i32
      %dma_start3A_118 = tpu.memref_slice %arg9[%add3A_7, %dma_start3A_117] : memref<10240x64xf32, #tpu.memory_space<vmem_shared>> -> memref<128x64xf32, #tpu.memory_space<vmem_shared>>
      %dma_start3A_119 = arith.constant 0 : i32
      %dma_start3A_120 = tpu.memref_slice %arg9[%add3A_7, %dma_start3A_119] : memref<10240x64xf32, #tpu.memory_space<vmem_shared>> -> memref<128x64xf32, #tpu.memory_space<vmem_shared>>
      %dma_start3A_121 = arith.constant 0 : i32
      %dma_start3A_122 = arith.constant 0 : i32
      %dma_start3A_123 = tpu.memref_slice %arg8[%run_scoped3A, %dma_start3A_121, %dma_start3A_122] : memref<4x128x64xf32, #tpu.memory_space<vmem>> -> memref<1x128x64xf32, #tpu.memory_space<vmem>>
      %dma_start3A_124 = tpu.memref_squeeze %dma_start3A_123 : memref<1x128x64xf32, #tpu.memory_space<vmem>> -> memref<128x64xf32, #tpu.memory_space<vmem>>
      tpu.enqueue_dma source(%dma_start3A_124 : memref<128x64xf32, #tpu.memory_space<vmem>>) target(%dma_start3A_120 : memref<128x64xf32, #tpu.memory_space<vmem_shared>>) target_semaphore(%run_scoped3A_112 : memref<!tpu.dma_semaphore, #tpu.memory_space<semaphore_mem>>)
      %dma_wait3A = arith.constant 0 : i32
      %dma_wait3A_125 = arith.constant 0 : i32
      %dma_wait3A_126 = tpu.memref_slice %arg8[%run_scoped3A, %dma_wait3A, %dma_wait3A_125] : memref<4x128x64xf32, #tpu.memory_space<vmem>> -> memref<1x128x64xf32, #tpu.memory_space<vmem>>
      %dma_wait3A_127 = tpu.memref_squeeze %dma_wait3A_126 : memref<1x128x64xf32, #tpu.memory_space<vmem>> -> memref<128x64xf32, #tpu.memory_space<vmem>>
      %dma_wait3A_128 = arith.constant 0 : i32
      %dma_wait3A_129 = tpu.memref_slice %arg9[%add3A_7, %dma_wait3A_128] : memref<10240x64xf32, #tpu.memory_space<vmem_shared>> -> memref<128x64xf32, #tpu.memory_space<vmem_shared>>
      %dma_wait3A_130 = arith.constant 0 : i32
      %dma_wait3A_131 = tpu.memref_slice %arg9[%add3A_7, %dma_wait3A_130] : memref<10240x64xf32, #tpu.memory_space<vmem_shared>> -> memref<128x64xf32, #tpu.memory_space<vmem_shared>>
      %dma_wait3A_132 = arith.constant 0 : i32
      %dma_wait3A_133 = arith.constant 0 : i32
      %dma_wait3A_134 = tpu.memref_slice %arg8[%run_scoped3A, %dma_wait3A_132, %dma_wait3A_133] : memref<4x128x64xf32, #tpu.memory_space<vmem>> -> memref<1x128x64xf32, #tpu.memory_space<vmem>>
      %dma_wait3A_135 = tpu.memref_squeeze %dma_wait3A_134 : memref<1x128x64xf32, #tpu.memory_space<vmem>> -> memref<128x64xf32, #tpu.memory_space<vmem>>
      tpu.wait_dma2 semaphore(%run_scoped3A_112 : memref<!tpu.dma_semaphore, #tpu.memory_space<semaphore_mem>>) src(%dma_wait3A_135 : memref<128x64xf32, #tpu.memory_space<vmem>>) dst(%dma_wait3A_131 : memref<128x64xf32, #tpu.memory_space<vmem_shared>>)
      tpu.yield
    }) : () -> ()
    %mul3A_8 = arith.constant 640 : i32
    %mul3A_9 = arith.muli %arg1, %mul3A_8 : i32
    %add3A_10 = arith.constant 128 : i32
    %add3A_11 = arith.addi %mul3A_9, %add3A_10 : i32
    %run_scoped3A_12 = arith.constant 0 : i32
    "tpu.region"() ({
      %run_scoped3A_112 = tpu.sem_alloc : memref<!tpu.dma_semaphore, #tpu.memory_space<semaphore_mem>>
      %dma_start3A_113 = arith.constant 0 : i32
      %dma_start3A_114 = arith.constant 0 : i32
      %dma_start3A_115 = tpu.memref_slice %arg8[%run_scoped3A_12, %dma_start3A_113, %dma_start3A_114] : memref<4x128x64xf32, #tpu.memory_space<vmem>> -> memref<1x128x64xf32, #tpu.memory_space<vmem>>
      %dma_start3A_116 = tpu.memref_squeeze %dma_start3A_115 : memref<1x128x64xf32, #tpu.memory_space<vmem>> -> memref<128x64xf32, #tpu.memory_space<vmem>>
      %dma_start3A_117 = arith.constant 0 : i32
      %dma_start3A_118 = tpu.memref_slice %arg9[%add3A_11, %dma_start3A_117] : memref<10240x64xf32, #tpu.memory_space<vmem_shared>> -> memref<128x64xf32, #tpu.memory_space<vmem_shared>>
      %dma_start3A_119 = arith.constant 0 : i32
      %dma_start3A_120 = tpu.memref_slice %arg9[%add3A_11, %dma_start3A_119] : memref<10240x64xf32, #tpu.memory_space<vmem_shared>> -> memref<128x64xf32, #tpu.memory_space<vmem_shared>>
      %dma_start3A_121 = arith.constant 0 : i32
      %dma_start3A_122 = arith.constant 0 : i32
      %dma_start3A_123 = tpu.memref_slice %arg8[%run_scoped3A_12, %dma_start3A_121, %dma_start3A_122] : memref<4x128x64xf32, #tpu.memory_space<vmem>> -> memref<1x128x64xf32, #tpu.memory_space<vmem>>
      %dma_start3A_124 = tpu.memref_squeeze %dma_start3A_123 : memref<1x128x64xf32, #tpu.memory_space<vmem>> -> memref<128x64xf32, #tpu.memory_space<vmem>>
      tpu.enqueue_dma source(%dma_start3A_124 : memref<128x64xf32, #tpu.memory_space<vmem>>) target(%dma_start3A_120 : memref<128x64xf32, #tpu.memory_space<vmem_shared>>) target_semaphore(%run_scoped3A_112 : memref<!tpu.dma_semaphore, #tpu.memory_space<semaphore_mem>>)
      %dma_wait3A = arith.constant 0 : i32
      %dma_wait3A_125 = arith.constant 0 : i32
      %dma_wait3A_126 = tpu.memref_slice %arg8[%run_scoped3A_12, %dma_wait3A, %dma_wait3A_125] : memref<4x128x64xf32, #tpu.memory_space<vmem>> -> memref<1x128x64xf32, #tpu.memory_space<vmem>>
      %dma_wait3A_127 = tpu.memref_squeeze %dma_wait3A_126 : memref<1x128x64xf32, #tpu.memory_space<vmem>> -> memref<128x64xf32, #tpu.memory_space<vmem>>
      %dma_wait3A_128 = arith.constant 0 : i32
      %dma_wait3A_129 = tpu.memref_slice %arg9[%add3A_11, %dma_wait3A_128] : memref<10240x64xf32, #tpu.memory_space<vmem_shared>> -> memref<128x64xf32, #tpu.memory_space<vmem_shared>>
      %dma_wait3A_130 = arith.constant 0 : i32
      %dma_wait3A_131 = tpu.memref_slice %arg9[%add3A_11, %dma_wait3A_130] : memref<10240x64xf32, #tpu.memory_space<vmem_shared>> -> memref<128x64xf32, #tpu.memory_space<vmem_shared>>
      %dma_wait3A_132 = arith.constant 0 : i32
      %dma_wait3A_133 = arith.constant 0 : i32
      %dma_wait3A_134 = tpu.memref_slice %arg8[%run_scoped3A_12, %dma_wait3A_132, %dma_wait3A_133] : memref<4x128x64xf32, #tpu.memory_space<vmem>> -> memref<1x128x64xf32, #tpu.memory_space<vmem>>
      %dma_wait3A_135 = tpu.memref_squeeze %dma_wait3A_134 : memref<1x128x64xf32, #tpu.memory_space<vmem>> -> memref<128x64xf32, #tpu.memory_space<vmem>>
      tpu.wait_dma2 semaphore(%run_scoped3A_112 : memref<!tpu.dma_semaphore, #tpu.memory_space<semaphore_mem>>) src(%dma_wait3A_135 : memref<128x64xf32, #tpu.memory_space<vmem>>) dst(%dma_wait3A_131 : memref<128x64xf32, #tpu.memory_space<vmem_shared>>)
      tpu.yield
    }) : () -> ()
    %mul3A_13 = arith.constant 640 : i32
    %mul3A_14 = arith.muli %arg1, %mul3A_13 : i32
    %add3A_15 = arith.constant 256 : i32
    %add3A_16 = arith.addi %mul3A_14, %add3A_15 : i32
    %run_scoped3A_17 = arith.constant 0 : i32
    "tpu.region"() ({
      %run_scoped3A_112 = tpu.sem_alloc : memref<!tpu.dma_semaphore, #tpu.memory_space<semaphore_mem>>
      %dma_start3A_113 = arith.constant 0 : i32
      %dma_start3A_114 = arith.constant 0 : i32
      %dma_start3A_115 = tpu.memref_slice %arg8[%run_scoped3A_17, %dma_start3A_113, %dma_start3A_114] : memref<4x128x64xf32, #tpu.memory_space<vmem>> -> memref<1x128x64xf32, #tpu.memory_space<vmem>>
      %dma_start3A_116 = tpu.memref_squeeze %dma_start3A_115 : memref<1x128x64xf32, #tpu.memory_space<vmem>> -> memref<128x64xf32, #tpu.memory_space<vmem>>
      %dma_start3A_117 = arith.constant 0 : i32
      %dma_start3A_118 = tpu.memref_slice %arg9[%add3A_16, %dma_start3A_117] : memref<10240x64xf32, #tpu.memory_space<vmem_shared>> -> memref<128x64xf32, #tpu.memory_space<vmem_shared>>
      %dma_start3A_119 = arith.constant 0 : i32
      %dma_start3A_120 = tpu.memref_slice %arg9[%add3A_16, %dma_start3A_119] : memref<10240x64xf32, #tpu.memory_space<vmem_shared>> -> memref<128x64xf32, #tpu.memory_space<vmem_shared>>
      %dma_start3A_121 = arith.constant 0 : i32
      %dma_start3A_122 = arith.constant 0 : i32
      %dma_start3A_123 = tpu.memref_slice %arg8[%run_scoped3A_17, %dma_start3A_121, %dma_start3A_122] : memref<4x128x64xf32, #tpu.memory_space<vmem>> -> memref<1x128x64xf32, #tpu.memory_space<vmem>>
      %dma_start3A_124 = tpu.memref_squeeze %dma_start3A_123 : memref<1x128x64xf32, #tpu.memory_space<vmem>> -> memref<128x64xf32, #tpu.memory_space<vmem>>
      tpu.enqueue_dma source(%dma_start3A_124 : memref<128x64xf32, #tpu.memory_space<vmem>>) target(%dma_start3A_120 : memref<128x64xf32, #tpu.memory_space<vmem_shared>>) target_semaphore(%run_scoped3A_112 : memref<!tpu.dma_semaphore, #tpu.memory_space<semaphore_mem>>)
      %dma_wait3A = arith.constant 0 : i32
      %dma_wait3A_125 = arith.constant 0 : i32
      %dma_wait3A_126 = tpu.memref_slice %arg8[%run_scoped3A_17, %dma_wait3A, %dma_wait3A_125] : memref<4x128x64xf32, #tpu.memory_space<vmem>> -> memref<1x128x64xf32, #tpu.memory_space<vmem>>
      %dma_wait3A_127 = tpu.memref_squeeze %dma_wait3A_126 : memref<1x128x64xf32, #tpu.memory_space<vmem>> -> memref<128x64xf32, #tpu.memory_space<vmem>>
      %dma_wait3A_128 = arith.constant 0 : i32
      %dma_wait3A_129 = tpu.memref_slice %arg9[%add3A_16, %dma_wait3A_128] : memref<10240x64xf32, #tpu.memory_space<vmem_shared>> -> memref<128x64xf32, #tpu.memory_space<vmem_shared>>
      %dma_wait3A_130 = arith.constant 0 : i32
      %dma_wait3A_131 = tpu.memref_slice %arg9[%add3A_16, %dma_wait3A_130] : memref<10240x64xf32, #tpu.memory_space<vmem_shared>> -> memref<128x64xf32, #tpu.memory_space<vmem_shared>>
      %dma_wait3A_132 = arith.constant 0 : i32
      %dma_wait3A_133 = arith.constant 0 : i32
      %dma_wait3A_134 = tpu.memref_slice %arg8[%run_scoped3A_17, %dma_wait3A_132, %dma_wait3A_133] : memref<4x128x64xf32, #tpu.memory_space<vmem>> -> memref<1x128x64xf32, #tpu.memory_space<vmem>>
      %dma_wait3A_135 = tpu.memref_squeeze %dma_wait3A_134 : memref<1x128x64xf32, #tpu.memory_space<vmem>> -> memref<128x64xf32, #tpu.memory_space<vmem>>
      tpu.wait_dma2 semaphore(%run_scoped3A_112 : memref<!tpu.dma_semaphore, #tpu.memory_space<semaphore_mem>>) src(%dma_wait3A_135 : memref<128x64xf32, #tpu.memory_space<vmem>>) dst(%dma_wait3A_131 : memref<128x64xf32, #tpu.memory_space<vmem_shared>>)
      tpu.yield
    }) : () -> ()
    %mul3A_18 = arith.constant 640 : i32
    %mul3A_19 = arith.muli %arg1, %mul3A_18 : i32
    %add3A_20 = arith.constant 384 : i32
    %add3A_21 = arith.addi %mul3A_19, %add3A_20 : i32
    %run_scoped3A_22 = arith.constant 0 : i32
    "tpu.region"() ({
      %run_scoped3A_112 = tpu.sem_alloc : memref<!tpu.dma_semaphore, #tpu.memory_space<semaphore_mem>>
      %dma_start3A_113 = arith.constant 0 : i32
      %dma_start3A_114 = arith.constant 0 : i32
      %dma_start3A_115 = tpu.memref_slice %arg8[%run_scoped3A_22, %dma_start3A_113, %dma_start3A_114] : memref<4x128x64xf32, #tpu.memory_space<vmem>> -> memref<1x128x64xf32, #tpu.memory_space<vmem>>
      %dma_start3A_116 = tpu.memref_squeeze %dma_start3A_115 : memref<1x128x64xf32, #tpu.memory_space<vmem>> -> memref<128x64xf32, #tpu.memory_space<vmem>>
      %dma_start3A_117 = arith.constant 0 : i32
      %dma_start3A_118 = tpu.memref_slice %arg9[%add3A_21, %dma_start3A_117] : memref<10240x64xf32, #tpu.memory_space<vmem_shared>> -> memref<128x64xf32, #tpu.memory_space<vmem_shared>>
      %dma_start3A_119 = arith.constant 0 : i32
      %dma_start3A_120 = tpu.memref_slice %arg9[%add3A_21, %dma_start3A_119] : memref<10240x64xf32, #tpu.memory_space<vmem_shared>> -> memref<128x64xf32, #tpu.memory_space<vmem_shared>>
      %dma_start3A_121 = arith.constant 0 : i32
      %dma_start3A_122 = arith.constant 0 : i32
      %dma_start3A_123 = tpu.memref_slice %arg8[%run_scoped3A_22, %dma_start3A_121, %dma_start3A_122] : memref<4x128x64xf32, #tpu.memory_space<vmem>> -> memref<1x128x64xf32, #tpu.memory_space<vmem>>
      %dma_start3A_124 = tpu.memref_squeeze %dma_start3A_123 : memref<1x128x64xf32, #tpu.memory_space<vmem>> -> memref<128x64xf32, #tpu.memory_space<vmem>>
      tpu.enqueue_dma source(%dma_start3A_124 : memref<128x64xf32, #tpu.memory_space<vmem>>) target(%dma_start3A_120 : memref<128x64xf32, #tpu.memory_space<vmem_shared>>) target_semaphore(%run_scoped3A_112 : memref<!tpu.dma_semaphore, #tpu.memory_space<semaphore_mem>>)
      %dma_wait3A = arith.constant 0 : i32
      %dma_wait3A_125 = arith.constant 0 : i32
      %dma_wait3A_126 = tpu.memref_slice %arg8[%run_scoped3A_22, %dma_wait3A, %dma_wait3A_125] : memref<4x128x64xf32, #tpu.memory_space<vmem>> -> memref<1x128x64xf32, #tpu.memory_space<vmem>>
      %dma_wait3A_127 = tpu.memref_squeeze %dma_wait3A_126 : memref<1x128x64xf32, #tpu.memory_space<vmem>> -> memref<128x64xf32, #tpu.memory_space<vmem>>
      %dma_wait3A_128 = arith.constant 0 : i32
      %dma_wait3A_129 = tpu.memref_slice %arg9[%add3A_21, %dma_wait3A_128] : memref<10240x64xf32, #tpu.memory_space<vmem_shared>> -> memref<128x64xf32, #tpu.memory_space<vmem_shared>>
      %dma_wait3A_130 = arith.constant 0 : i32
      %dma_wait3A_131 = tpu.memref_slice %arg9[%add3A_21, %dma_wait3A_130] : memref<10240x64xf32, #tpu.memory_space<vmem_shared>> -> memref<128x64xf32, #tpu.memory_space<vmem_shared>>
      %dma_wait3A_132 = arith.constant 0 : i32
      %dma_wait3A_133 = arith.constant 0 : i32
      %dma_wait3A_134 = tpu.memref_slice %arg8[%run_scoped3A_22, %dma_wait3A_132, %dma_wait3A_133] : memref<4x128x64xf32, #tpu.memory_space<vmem>> -> memref<1x128x64xf32, #tpu.memory_space<vmem>>
      %dma_wait3A_135 = tpu.memref_squeeze %dma_wait3A_134 : memref<1x128x64xf32, #tpu.memory_space<vmem>> -> memref<128x64xf32, #tpu.memory_space<vmem>>
      tpu.wait_dma2 semaphore(%run_scoped3A_112 : memref<!tpu.dma_semaphore, #tpu.memory_space<semaphore_mem>>) src(%dma_wait3A_135 : memref<128x64xf32, #tpu.memory_space<vmem>>) dst(%dma_wait3A_131 : memref<128x64xf32, #tpu.memory_space<vmem_shared>>)
      tpu.yield
    }) : () -> ()
    %mul3A_23 = arith.constant 640 : i32
    %mul3A_24 = arith.muli %arg1, %mul3A_23 : i32
    %add3A_25 = arith.constant 512 : i32
    %add3A_26 = arith.addi %mul3A_24, %add3A_25 : i32
    %run_scoped3A_27 = arith.constant 0 : i32
    "tpu.region"() ({
      %run_scoped3A_112 = tpu.sem_alloc : memref<!tpu.dma_semaphore, #tpu.memory_space<semaphore_mem>>
      %dma_start3A_113 = arith.constant 0 : i32
      %dma_start3A_114 = arith.constant 0 : i32
      %dma_start3A_115 = tpu.memref_slice %arg8[%run_scoped3A_27, %dma_start3A_113, %dma_start3A_114] : memref<4x128x64xf32, #tpu.memory_space<vmem>> -> memref<1x128x64xf32, #tpu.memory_space<vmem>>
      %dma_start3A_116 = tpu.memref_squeeze %dma_start3A_115 : memref<1x128x64xf32, #tpu.memory_space<vmem>> -> memref<128x64xf32, #tpu.memory_space<vmem>>
      %dma_start3A_117 = arith.constant 0 : i32
      %dma_start3A_118 = tpu.memref_slice %arg9[%add3A_26, %dma_start3A_117] : memref<10240x64xf32, #tpu.memory_space<vmem_shared>> -> memref<128x64xf32, #tpu.memory_space<vmem_shared>>
      %dma_start3A_119 = arith.constant 0 : i32
      %dma_start3A_120 = tpu.memref_slice %arg9[%add3A_26, %dma_start3A_119] : memref<10240x64xf32, #tpu.memory_space<vmem_shared>> -> memref<128x64xf32, #tpu.memory_space<vmem_shared>>
      %dma_start3A_121 = arith.constant 0 : i32
      %dma_start3A_122 = arith.constant 0 : i32
      %dma_start3A_123 = tpu.memref_slice %arg8[%run_scoped3A_27, %dma_start3A_121, %dma_start3A_122] : memref<4x128x64xf32, #tpu.memory_space<vmem>> -> memref<1x128x64xf32, #tpu.memory_space<vmem>>
      %dma_start3A_124 = tpu.memref_squeeze %dma_start3A_123 : memref<1x128x64xf32, #tpu.memory_space<vmem>> -> memref<128x64xf32, #tpu.memory_space<vmem>>
      tpu.enqueue_dma source(%dma_start3A_124 : memref<128x64xf32, #tpu.memory_space<vmem>>) target(%dma_start3A_120 : memref<128x64xf32, #tpu.memory_space<vmem_shared>>) target_semaphore(%run_scoped3A_112 : memref<!tpu.dma_semaphore, #tpu.memory_space<semaphore_mem>>)
      %dma_wait3A = arith.constant 0 : i32
      %dma_wait3A_125 = arith.constant 0 : i32
      %dma_wait3A_126 = tpu.memref_slice %arg8[%run_scoped3A_27, %dma_wait3A, %dma_wait3A_125] : memref<4x128x64xf32, #tpu.memory_space<vmem>> -> memref<1x128x64xf32, #tpu.memory_space<vmem>>
      %dma_wait3A_127 = tpu.memref_squeeze %dma_wait3A_126 : memref<1x128x64xf32, #tpu.memory_space<vmem>> -> memref<128x64xf32, #tpu.memory_space<vmem>>
      %dma_wait3A_128 = arith.constant 0 : i32
      %dma_wait3A_129 = tpu.memref_slice %arg9[%add3A_26, %dma_wait3A_128] : memref<10240x64xf32, #tpu.memory_space<vmem_shared>> -> memref<128x64xf32, #tpu.memory_space<vmem_shared>>
      %dma_wait3A_130 = arith.constant 0 : i32
      %dma_wait3A_131 = tpu.memref_slice %arg9[%add3A_26, %dma_wait3A_130] : memref<10240x64xf32, #tpu.memory_space<vmem_shared>> -> memref<128x64xf32, #tpu.memory_space<vmem_shared>>
      %dma_wait3A_132 = arith.constant 0 : i32
      %dma_wait3A_133 = arith.constant 0 : i32
      %dma_wait3A_134 = tpu.memref_slice %arg8[%run_scoped3A_27, %dma_wait3A_132, %dma_wait3A_133] : memref<4x128x64xf32, #tpu.memory_space<vmem>> -> memref<1x128x64xf32, #tpu.memory_space<vmem>>
      %dma_wait3A_135 = tpu.memref_squeeze %dma_wait3A_134 : memref<1x128x64xf32, #tpu.memory_space<vmem>> -> memref<128x64xf32, #tpu.memory_space<vmem>>
      tpu.wait_dma2 semaphore(%run_scoped3A_112 : memref<!tpu.dma_semaphore, #tpu.memory_space<semaphore_mem>>) src(%dma_wait3A_135 : memref<128x64xf32, #tpu.memory_space<vmem>>) dst(%dma_wait3A_131 : memref<128x64xf32, #tpu.memory_space<vmem_shared>>)
      tpu.yield
    }) : () -> ()
    %barrier3A = arith.constant 0 : index
    tpu.barrier barrier_id(%barrier3A)
    %dma_start3A = arith.constant 0 : i32
    %dma_start3A_28 = arith.constant 0 : i32
    %dma_start3A_29 = arith.constant 0 : i32
    %dma_start3A_30 = arith.constant 0 : i32
    %dma_start3A_31 = tpu.memref_slice %arg8[%dma_start3A_28, %dma_start3A_29, %dma_start3A_30] : memref<4x128x64xf32, #tpu.memory_space<vmem>> -> memref<1x128x64xf32, #tpu.memory_space<vmem>>
    %dma_start3A_32 = tpu.memref_squeeze %dma_start3A_31 : memref<1x128x64xf32, #tpu.memory_space<vmem>> -> memref<128x64xf32, #tpu.memory_space<vmem>>
    %dma_start3A_33 = arith.constant 0 : i32
    %dma_start3A_34 = tpu.memref_slice %arg6[%dma_start3A, %dma_start3A_33] : memref<160x128xi32, #tpu.memory_space<vmem>> -> memref<1x128xi32, #tpu.memory_space<vmem>>
    %dma_start3A_35 = tpu.memref_squeeze %dma_start3A_34 : memref<1x128xi32, #tpu.memory_space<vmem>> -> memref<128xi32, #tpu.memory_space<vmem>>
    %dma_start3A_36 = arith.constant 0 : i32
    %dma_start3A_37 = arith.constant 0 : i32
    %dma_start3A_38 = tpu.memref_slice %arg2[%dma_start3A_36, %dma_start3A_37] : memref<20000x64xf32, #tpu.memory_space<hbm>> -> memref<20000x64xf32, #tpu.memory_space<hbm>>
    tpu.enqueue_indirect_dma source(%dma_start3A_38 : memref<20000x64xf32, #tpu.memory_space<hbm>>) target(%dma_start3A_32 : memref<128x64xf32, #tpu.memory_space<vmem>>) offsets(%dma_start3A_35 : memref<128xi32, #tpu.memory_space<vmem>>) semaphore(%arg10 : memref<!tpu.dma_semaphore, #tpu.memory_space<semaphore_mem>>)
    %dma_start3A_39 = arith.constant 1 : i32
    %dma_start3A_40 = arith.constant 1 : i32
    %dma_start3A_41 = arith.constant 0 : i32
    %dma_start3A_42 = arith.constant 0 : i32
    %dma_start3A_43 = tpu.memref_slice %arg8[%dma_start3A_40, %dma_start3A_41, %dma_start3A_42] : memref<4x128x64xf32, #tpu.memory_space<vmem>> -> memref<1x128x64xf32, #tpu.memory_space<vmem>>
    %dma_start3A_44 = tpu.memref_squeeze %dma_start3A_43 : memref<1x128x64xf32, #tpu.memory_space<vmem>> -> memref<128x64xf32, #tpu.memory_space<vmem>>
    %dma_start3A_45 = arith.constant 0 : i32
    %dma_start3A_46 = tpu.memref_slice %arg6[%dma_start3A_39, %dma_start3A_45] : memref<160x128xi32, #tpu.memory_space<vmem>> -> memref<1x128xi32, #tpu.memory_space<vmem>>
    %dma_start3A_47 = tpu.memref_squeeze %dma_start3A_46 : memref<1x128xi32, #tpu.memory_space<vmem>> -> memref<128xi32, #tpu.memory_space<vmem>>
    %dma_start3A_48 = arith.constant 0 : i32
    %dma_start3A_49 = arith.constant 0 : i32
    %dma_start3A_50 = tpu.memref_slice %arg2[%dma_start3A_48, %dma_start3A_49] : memref<20000x64xf32, #tpu.memory_space<hbm>> -> memref<20000x64xf32, #tpu.memory_space<hbm>>
    tpu.enqueue_indirect_dma source(%dma_start3A_50 : memref<20000x64xf32, #tpu.memory_space<hbm>>) target(%dma_start3A_44 : memref<128x64xf32, #tpu.memory_space<vmem>>) offsets(%dma_start3A_47 : memref<128xi32, #tpu.memory_space<vmem>>) semaphore(%arg11 : memref<!tpu.dma_semaphore, #tpu.memory_space<semaphore_mem>>)
    %dma_start3A_51 = arith.constant 2 : i32
    %dma_start3A_52 = arith.constant 2 : i32
    %dma_start3A_53 = arith.constant 0 : i32
    %dma_start3A_54 = arith.constant 0 : i32
    %dma_start3A_55 = tpu.memref_slice %arg8[%dma_start3A_52, %dma_start3A_53, %dma_start3A_54] : memref<4x128x64xf32, #tpu.memory_space<vmem>> -> memref<1x128x64xf32, #tpu.memory_space<vmem>>
    %dma_start3A_56 = tpu.memref_squeeze %dma_start3A_55 : memref<1x128x64xf32, #tpu.memory_space<vmem>> -> memref<128x64xf32, #tpu.memory_space<vmem>>
    %dma_start3A_57 = arith.constant 0 : i32
    %dma_start3A_58 = tpu.memref_slice %arg6[%dma_start3A_51, %dma_start3A_57] : memref<160x128xi32, #tpu.memory_space<vmem>> -> memref<1x128xi32, #tpu.memory_space<vmem>>
    %dma_start3A_59 = tpu.memref_squeeze %dma_start3A_58 : memref<1x128xi32, #tpu.memory_space<vmem>> -> memref<128xi32, #tpu.memory_space<vmem>>
    %dma_start3A_60 = arith.constant 0 : i32
    %dma_start3A_61 = arith.constant 0 : i32
    %dma_start3A_62 = tpu.memref_slice %arg2[%dma_start3A_60, %dma_start3A_61] : memref<20000x64xf32, #tpu.memory_space<hbm>> -> memref<20000x64xf32, #tpu.memory_space<hbm>>
    tpu.enqueue_indirect_dma source(%dma_start3A_62 : memref<20000x64xf32, #tpu.memory_space<hbm>>) target(%dma_start3A_56 : memref<128x64xf32, #tpu.memory_space<vmem>>) offsets(%dma_start3A_59 : memref<128xi32, #tpu.memory_space<vmem>>) semaphore(%arg12 : memref<!tpu.dma_semaphore, #tpu.memory_space<semaphore_mem>>)
    %dma_start3A_63 = arith.constant 3 : i32
    %dma_start3A_64 = arith.constant 3 : i32
    %dma_start3A_65 = arith.constant 0 : i32
    %dma_start3A_66 = arith.constant 0 : i32
    %dma_start3A_67 = tpu.memref_slice %arg8[%dma_start3A_64, %dma_start3A_65, %dma_start3A_66] : memref<4x128x64xf32, #tpu.memory_space<vmem>> -> memref<1x128x64xf32, #tpu.memory_space<vmem>>
    %dma_start3A_68 = tpu.memref_squeeze %dma_start3A_67 : memref<1x128x64xf32, #tpu.memory_space<vmem>> -> memref<128x64xf32, #tpu.memory_space<vmem>>
    %dma_start3A_69 = arith.constant 0 : i32
    %dma_start3A_70 = tpu.memref_slice %arg6[%dma_start3A_63, %dma_start3A_69] : memref<160x128xi32, #tpu.memory_space<vmem>> -> memref<1x128xi32, #tpu.memory_space<vmem>>
    %dma_start3A_71 = tpu.memref_squeeze %dma_start3A_70 : memref<1x128xi32, #tpu.memory_space<vmem>> -> memref<128xi32, #tpu.memory_space<vmem>>
    %dma_start3A_72 = arith.constant 0 : i32
    %dma_start3A_73 = arith.constant 0 : i32
    %dma_start3A_74 = tpu.memref_slice %arg2[%dma_start3A_72, %dma_start3A_73] : memref<20000x64xf32, #tpu.memory_space<hbm>> -> memref<20000x64xf32, #tpu.memory_space<hbm>>
    tpu.enqueue_indirect_dma source(%dma_start3A_74 : memref<20000x64xf32, #tpu.memory_space<hbm>>) target(%dma_start3A_68 : memref<128x64xf32, #tpu.memory_space<vmem>>) offsets(%dma_start3A_71 : memref<128xi32, #tpu.memory_space<vmem>>) semaphore(%arg13 : memref<!tpu.dma_semaphore, #tpu.memory_space<semaphore_mem>>)
    %scan3A_75 = arith.constant 0 : i32
    %scan3A_76 = arith.constant 0 : i32
    %scan3A_77 = arith.constant 40 : i32
    %scan3A_78 = arith.addi %scan3A_76, %scan3A_77 : i32
    %scan3A_79 = arith.constant 1 : i32
    scf.for %scan3A_112 = %scan3A_76 to %scan3A_78 step %scan3A_79  : i32 {
      %mul3A_113 = arith.constant 4 : i32
      %mul3A_114 = arith.muli %scan3A_112, %mul3A_113 : i32
      %add3A_115 = arith.constant 0 : i32
      %add3A_116 = arith.addi %mul3A_114, %add3A_115 : i32
      %dma_wait3A = arith.constant 0 : i32
      %dma_wait3A_117 = arith.constant 0 : i32
      %dma_wait3A_118 = arith.constant 0 : i32
      %dma_wait3A_119 = tpu.memref_slice %arg8[%dma_wait3A, %dma_wait3A_117, %dma_wait3A_118] : memref<4x128x64xf32, #tpu.memory_space<vmem>> -> memref<1x128x64xf32, #tpu.memory_space<vmem>>
      %dma_wait3A_120 = tpu.memref_squeeze %dma_wait3A_119 : memref<1x128x64xf32, #tpu.memory_space<vmem>> -> memref<128x64xf32, #tpu.memory_space<vmem>>
      %dma_wait3A_121 = arith.constant 0 : i32
      %dma_wait3A_122 = tpu.memref_slice %arg6[%add3A_116, %dma_wait3A_121] : memref<160x128xi32, #tpu.memory_space<vmem>> -> memref<1x128xi32, #tpu.memory_space<vmem>>
      %dma_wait3A_123 = tpu.memref_squeeze %dma_wait3A_122 : memref<1x128xi32, #tpu.memory_space<vmem>> -> memref<128xi32, #tpu.memory_space<vmem>>
      %dma_wait3A_124 = arith.constant 0 : i32
      %dma_wait3A_125 = arith.constant 0 : i32
      %dma_wait3A_126 = tpu.memref_slice %arg2[%dma_wait3A_124, %dma_wait3A_125] : memref<20000x64xf32, #tpu.memory_space<hbm>> -> memref<20000x64xf32, #tpu.memory_space<hbm>>
      tpu.wait_indirect_dma semaphore(%arg10 : memref<!tpu.dma_semaphore, #tpu.memory_space<semaphore_mem>>) src(%dma_wait3A_126 : memref<20000x64xf32, #tpu.memory_space<hbm>>) dst(%dma_wait3A_120 : memref<128x64xf32, #tpu.memory_space<vmem>>)
      %dma_start3A_127 = arith.constant 0 : i32
      %dma_start3A_128 = arith.constant 0 : i32
      %dma_start3A_129 = arith.constant 0 : i32
      %dma_start3A_130 = tpu.memref_slice %arg8[%dma_start3A_127, %dma_start3A_128, %dma_start3A_129] : memref<4x128x64xf32, #tpu.memory_space<vmem>> -> memref<1x128x64xf32, #tpu.memory_space<vmem>>
      %dma_start3A_131 = tpu.memref_squeeze %dma_start3A_130 : memref<1x128x64xf32, #tpu.memory_space<vmem>> -> memref<128x64xf32, #tpu.memory_space<vmem>>
      %dma_start3A_132 = arith.constant 0 : i32
      %dma_start3A_133 = tpu.memref_slice %arg7[%add3A_116, %dma_start3A_132] : memref<160x128xi32, #tpu.memory_space<vmem>> -> memref<1x128xi32, #tpu.memory_space<vmem>>
      %dma_start3A_134 = tpu.memref_squeeze %dma_start3A_133 : memref<1x128xi32, #tpu.memory_space<vmem>> -> memref<128xi32, #tpu.memory_space<vmem>>
      %dma_start3A_135 = arith.constant 0 : i32
      %dma_start3A_136 = arith.constant 0 : i32
      %dma_start3A_137 = tpu.memref_slice %arg9[%dma_start3A_135, %dma_start3A_136] : memref<10240x64xf32, #tpu.memory_space<vmem_shared>> -> memref<10240x64xf32, #tpu.memory_space<vmem_shared>>
      tpu.enqueue_indirect_dma source(%dma_start3A_131 : memref<128x64xf32, #tpu.memory_space<vmem>>) target(%dma_start3A_137 : memref<10240x64xf32, #tpu.memory_space<vmem_shared>>) offsets(%dma_start3A_134 : memref<128xi32, #tpu.memory_space<vmem>>) semaphore(%arg14 : memref<!tpu.dma_semaphore, #tpu.memory_space<semaphore_mem>>) {add = true}
      %dma_wait3A_138 = arith.constant 0 : i32
      %dma_wait3A_139 = arith.constant 0 : i32
      %dma_wait3A_140 = arith.constant 0 : i32
      %dma_wait3A_141 = tpu.memref_slice %arg8[%dma_wait3A_138, %dma_wait3A_139, %dma_wait3A_140] : memref<4x128x64xf32, #tpu.memory_space<vmem>> -> memref<1x128x64xf32, #tpu.memory_space<vmem>>
      %dma_wait3A_142 = tpu.memref_squeeze %dma_wait3A_141 : memref<1x128x64xf32, #tpu.memory_space<vmem>> -> memref<128x64xf32, #tpu.memory_space<vmem>>
      %dma_wait3A_143 = arith.constant 0 : i32
      %dma_wait3A_144 = tpu.memref_slice %arg7[%add3A_116, %dma_wait3A_143] : memref<160x128xi32, #tpu.memory_space<vmem>> -> memref<1x128xi32, #tpu.memory_space<vmem>>
      %dma_wait3A_145 = tpu.memref_squeeze %dma_wait3A_144 : memref<1x128xi32, #tpu.memory_space<vmem>> -> memref<128xi32, #tpu.memory_space<vmem>>
      %dma_wait3A_146 = arith.constant 0 : i32
      %dma_wait3A_147 = arith.constant 0 : i32
      %dma_wait3A_148 = tpu.memref_slice %arg9[%dma_wait3A_146, %dma_wait3A_147] : memref<10240x64xf32, #tpu.memory_space<vmem_shared>> -> memref<10240x64xf32, #tpu.memory_space<vmem_shared>>
      tpu.wait_indirect_dma semaphore(%arg14 : memref<!tpu.dma_semaphore, #tpu.memory_space<semaphore_mem>>) src(%dma_wait3A_142 : memref<128x64xf32, #tpu.memory_space<vmem>>) dst(%dma_wait3A_148 : memref<10240x64xf32, #tpu.memory_space<vmem_shared>>)
      %lt3A = arith.constant 39 : i32
      %lt3A_149 = arith.cmpi slt, %scan3A_112, %lt3A : i32
      %convert_element_type3A = arith.extui %lt3A_149 : i1 to i32
      %cond3A = arith.constant 0 : i32
      %cond3A_150 = arith.cmpi ne, %convert_element_type3A, %cond3A : i32
      scf.if %cond3A_150 {
        %add3A_277 = arith.constant 4 : i32
        %add3A_278 = arith.addi %add3A_116, %add3A_277 : i32
        %dma_start3A_279 = arith.constant 0 : i32
        %dma_start3A_280 = arith.constant 0 : i32
        %dma_start3A_281 = arith.constant 0 : i32
        %dma_start3A_282 = tpu.memref_slice %arg8[%dma_start3A_279, %dma_start3A_280, %dma_start3A_281] : memref<4x128x64xf32, #tpu.memory_space<vmem>> -> memref<1x128x64xf32, #tpu.memory_space<vmem>>
        %dma_start3A_283 = tpu.memref_squeeze %dma_start3A_282 : memref<1x128x64xf32, #tpu.memory_space<vmem>> -> memref<128x64xf32, #tpu.memory_space<vmem>>
        %dma_start3A_284 = arith.constant 0 : i32
        %dma_start3A_285 = tpu.memref_slice %arg6[%add3A_278, %dma_start3A_284] : memref<160x128xi32, #tpu.memory_space<vmem>> -> memref<1x128xi32, #tpu.memory_space<vmem>>
        %dma_start3A_286 = tpu.memref_squeeze %dma_start3A_285 : memref<1x128xi32, #tpu.memory_space<vmem>> -> memref<128xi32, #tpu.memory_space<vmem>>
        %dma_start3A_287 = arith.constant 0 : i32
        %dma_start3A_288 = arith.constant 0 : i32
        %dma_start3A_289 = tpu.memref_slice %arg2[%dma_start3A_287, %dma_start3A_288] : memref<20000x64xf32, #tpu.memory_space<hbm>> -> memref<20000x64xf32, #tpu.memory_space<hbm>>
        tpu.enqueue_indirect_dma source(%dma_start3A_289 : memref<20000x64xf32, #tpu.memory_space<hbm>>) target(%dma_start3A_283 : memref<128x64xf32, #tpu.memory_space<vmem>>) offsets(%dma_start3A_286 : memref<128xi32, #tpu.memory_space<vmem>>) semaphore(%arg10 : memref<!tpu.dma_semaphore, #tpu.memory_space<semaphore_mem>>)
      } else {
      }
      %mul3A_151 = arith.constant 4 : i32
      %mul3A_152 = arith.muli %scan3A_112, %mul3A_151 : i32
      %add3A_153 = arith.constant 1 : i32
      %add3A_154 = arith.addi %mul3A_152, %add3A_153 : i32
      %dma_wait3A_155 = arith.constant 1 : i32
      %dma_wait3A_156 = arith.constant 0 : i32
      %dma_wait3A_157 = arith.constant 0 : i32
      %dma_wait3A_158 = tpu.memref_slice %arg8[%dma_wait3A_155, %dma_wait3A_156, %dma_wait3A_157] : memref<4x128x64xf32, #tpu.memory_space<vmem>> -> memref<1x128x64xf32, #tpu.memory_space<vmem>>
      %dma_wait3A_159 = tpu.memref_squeeze %dma_wait3A_158 : memref<1x128x64xf32, #tpu.memory_space<vmem>> -> memref<128x64xf32, #tpu.memory_space<vmem>>
      %dma_wait3A_160 = arith.constant 0 : i32
      %dma_wait3A_161 = tpu.memref_slice %arg6[%add3A_154, %dma_wait3A_160] : memref<160x128xi32, #tpu.memory_space<vmem>> -> memref<1x128xi32, #tpu.memory_space<vmem>>
      %dma_wait3A_162 = tpu.memref_squeeze %dma_wait3A_161 : memref<1x128xi32, #tpu.memory_space<vmem>> -> memref<128xi32, #tpu.memory_space<vmem>>
      %dma_wait3A_163 = arith.constant 0 : i32
      %dma_wait3A_164 = arith.constant 0 : i32
      %dma_wait3A_165 = tpu.memref_slice %arg2[%dma_wait3A_163, %dma_wait3A_164] : memref<20000x64xf32, #tpu.memory_space<hbm>> -> memref<20000x64xf32, #tpu.memory_space<hbm>>
      tpu.wait_indirect_dma semaphore(%arg11 : memref<!tpu.dma_semaphore, #tpu.memory_space<semaphore_mem>>) src(%dma_wait3A_165 : memref<20000x64xf32, #tpu.memory_space<hbm>>) dst(%dma_wait3A_159 : memref<128x64xf32, #tpu.memory_space<vmem>>)
      %dma_start3A_166 = arith.constant 1 : i32
      %dma_start3A_167 = arith.constant 0 : i32
      %dma_start3A_168 = arith.constant 0 : i32
      %dma_start3A_169 = tpu.memref_slice %arg8[%dma_start3A_166, %dma_start3A_167, %dma_start3A_168] : memref<4x128x64xf32, #tpu.memory_space<vmem>> -> memref<1x128x64xf32, #tpu.memory_space<vmem>>
      %dma_start3A_170 = tpu.memref_squeeze %dma_start3A_169 : memref<1x128x64xf32, #tpu.memory_space<vmem>> -> memref<128x64xf32, #tpu.memory_space<vmem>>
      %dma_start3A_171 = arith.constant 0 : i32
      %dma_start3A_172 = tpu.memref_slice %arg7[%add3A_154, %dma_start3A_171] : memref<160x128xi32, #tpu.memory_space<vmem>> -> memref<1x128xi32, #tpu.memory_space<vmem>>
      %dma_start3A_173 = tpu.memref_squeeze %dma_start3A_172 : memref<1x128xi32, #tpu.memory_space<vmem>> -> memref<128xi32, #tpu.memory_space<vmem>>
      %dma_start3A_174 = arith.constant 0 : i32
      %dma_start3A_175 = arith.constant 0 : i32
      %dma_start3A_176 = tpu.memref_slice %arg9[%dma_start3A_174, %dma_start3A_175] : memref<10240x64xf32, #tpu.memory_space<vmem_shared>> -> memref<10240x64xf32, #tpu.memory_space<vmem_shared>>
      tpu.enqueue_indirect_dma source(%dma_start3A_170 : memref<128x64xf32, #tpu.memory_space<vmem>>) target(%dma_start3A_176 : memref<10240x64xf32, #tpu.memory_space<vmem_shared>>) offsets(%dma_start3A_173 : memref<128xi32, #tpu.memory_space<vmem>>) semaphore(%arg15 : memref<!tpu.dma_semaphore, #tpu.memory_space<semaphore_mem>>) {add = true}
      %dma_wait3A_177 = arith.constant 1 : i32
      %dma_wait3A_178 = arith.constant 0 : i32
      %dma_wait3A_179 = arith.constant 0 : i32
      %dma_wait3A_180 = tpu.memref_slice %arg8[%dma_wait3A_177, %dma_wait3A_178, %dma_wait3A_179] : memref<4x128x64xf32, #tpu.memory_space<vmem>> -> memref<1x128x64xf32, #tpu.memory_space<vmem>>
      %dma_wait3A_181 = tpu.memref_squeeze %dma_wait3A_180 : memref<1x128x64xf32, #tpu.memory_space<vmem>> -> memref<128x64xf32, #tpu.memory_space<vmem>>
      %dma_wait3A_182 = arith.constant 0 : i32
      %dma_wait3A_183 = tpu.memref_slice %arg7[%add3A_154, %dma_wait3A_182] : memref<160x128xi32, #tpu.memory_space<vmem>> -> memref<1x128xi32, #tpu.memory_space<vmem>>
      %dma_wait3A_184 = tpu.memref_squeeze %dma_wait3A_183 : memref<1x128xi32, #tpu.memory_space<vmem>> -> memref<128xi32, #tpu.memory_space<vmem>>
      %dma_wait3A_185 = arith.constant 0 : i32
      %dma_wait3A_186 = arith.constant 0 : i32
      %dma_wait3A_187 = tpu.memref_slice %arg9[%dma_wait3A_185, %dma_wait3A_186] : memref<10240x64xf32, #tpu.memory_space<vmem_shared>> -> memref<10240x64xf32, #tpu.memory_space<vmem_shared>>
      tpu.wait_indirect_dma semaphore(%arg15 : memref<!tpu.dma_semaphore, #tpu.memory_space<semaphore_mem>>) src(%dma_wait3A_181 : memref<128x64xf32, #tpu.memory_space<vmem>>) dst(%dma_wait3A_187 : memref<10240x64xf32, #tpu.memory_space<vmem_shared>>)
      %lt3A_188 = arith.constant 39 : i32
      %lt3A_189 = arith.cmpi slt, %scan3A_112, %lt3A_188 : i32
      %convert_element_type3A_190 = arith.extui %lt3A_189 : i1 to i32
      %cond3A_191 = arith.constant 0 : i32
      %cond3A_192 = arith.cmpi ne, %convert_element_type3A_190, %cond3A_191 : i32
      scf.if %cond3A_192 {
        %add3A_277 = arith.constant 4 : i32
        %add3A_278 = arith.addi %add3A_154, %add3A_277 : i32
        %dma_start3A_279 = arith.constant 1 : i32
        %dma_start3A_280 = arith.constant 0 : i32
        %dma_start3A_281 = arith.constant 0 : i32
        %dma_start3A_282 = tpu.memref_slice %arg8[%dma_start3A_279, %dma_start3A_280, %dma_start3A_281] : memref<4x128x64xf32, #tpu.memory_space<vmem>> -> memref<1x128x64xf32, #tpu.memory_space<vmem>>
        %dma_start3A_283 = tpu.memref_squeeze %dma_start3A_282 : memref<1x128x64xf32, #tpu.memory_space<vmem>> -> memref<128x64xf32, #tpu.memory_space<vmem>>
        %dma_start3A_284 = arith.constant 0 : i32
        %dma_start3A_285 = tpu.memref_slice %arg6[%add3A_278, %dma_start3A_284] : memref<160x128xi32, #tpu.memory_space<vmem>> -> memref<1x128xi32, #tpu.memory_space<vmem>>
        %dma_start3A_286 = tpu.memref_squeeze %dma_start3A_285 : memref<1x128xi32, #tpu.memory_space<vmem>> -> memref<128xi32, #tpu.memory_space<vmem>>
        %dma_start3A_287 = arith.constant 0 : i32
        %dma_start3A_288 = arith.constant 0 : i32
        %dma_start3A_289 = tpu.memref_slice %arg2[%dma_start3A_287, %dma_start3A_288] : memref<20000x64xf32, #tpu.memory_space<hbm>> -> memref<20000x64xf32, #tpu.memory_space<hbm>>
        tpu.enqueue_indirect_dma source(%dma_start3A_289 : memref<20000x64xf32, #tpu.memory_space<hbm>>) target(%dma_start3A_283 : memref<128x64xf32, #tpu.memory_space<vmem>>) offsets(%dma_start3A_286 : memref<128xi32, #tpu.memory_space<vmem>>) semaphore(%arg11 : memref<!tpu.dma_semaphore, #tpu.memory_space<semaphore_mem>>)
      } else {
      }
      %mul3A_193 = arith.constant 4 : i32
      %mul3A_194 = arith.muli %scan3A_112, %mul3A_193 : i32
      %add3A_195 = arith.constant 2 : i32
      %add3A_196 = arith.addi %mul3A_194, %add3A_195 : i32
      %dma_wait3A_197 = arith.constant 2 : i32
      %dma_wait3A_198 = arith.constant 0 : i32
      %dma_wait3A_199 = arith.constant 0 : i32
      %dma_wait3A_200 = tpu.memref_slice %arg8[%dma_wait3A_197, %dma_wait3A_198, %dma_wait3A_199] : memref<4x128x64xf32, #tpu.memory_space<vmem>> -> memref<1x128x64xf32, #tpu.memory_space<vmem>>
      %dma_wait3A_201 = tpu.memref_squeeze %dma_wait3A_200 : memref<1x128x64xf32, #tpu.memory_space<vmem>> -> memref<128x64xf32, #tpu.memory_space<vmem>>
      %dma_wait3A_202 = arith.constant 0 : i32
      %dma_wait3A_203 = tpu.memref_slice %arg6[%add3A_196, %dma_wait3A_202] : memref<160x128xi32, #tpu.memory_space<vmem>> -> memref<1x128xi32, #tpu.memory_space<vmem>>
      %dma_wait3A_204 = tpu.memref_squeeze %dma_wait3A_203 : memref<1x128xi32, #tpu.memory_space<vmem>> -> memref<128xi32, #tpu.memory_space<vmem>>
      %dma_wait3A_205 = arith.constant 0 : i32
      %dma_wait3A_206 = arith.constant 0 : i32
      %dma_wait3A_207 = tpu.memref_slice %arg2[%dma_wait3A_205, %dma_wait3A_206] : memref<20000x64xf32, #tpu.memory_space<hbm>> -> memref<20000x64xf32, #tpu.memory_space<hbm>>
      tpu.wait_indirect_dma semaphore(%arg12 : memref<!tpu.dma_semaphore, #tpu.memory_space<semaphore_mem>>) src(%dma_wait3A_207 : memref<20000x64xf32, #tpu.memory_space<hbm>>) dst(%dma_wait3A_201 : memref<128x64xf32, #tpu.memory_space<vmem>>)
      %dma_start3A_208 = arith.constant 2 : i32
      %dma_start3A_209 = arith.constant 0 : i32
      %dma_start3A_210 = arith.constant 0 : i32
      %dma_start3A_211 = tpu.memref_slice %arg8[%dma_start3A_208, %dma_start3A_209, %dma_start3A_210] : memref<4x128x64xf32, #tpu.memory_space<vmem>> -> memref<1x128x64xf32, #tpu.memory_space<vmem>>
      %dma_start3A_212 = tpu.memref_squeeze %dma_start3A_211 : memref<1x128x64xf32, #tpu.memory_space<vmem>> -> memref<128x64xf32, #tpu.memory_space<vmem>>
      %dma_start3A_213 = arith.constant 0 : i32
      %dma_start3A_214 = tpu.memref_slice %arg7[%add3A_196, %dma_start3A_213] : memref<160x128xi32, #tpu.memory_space<vmem>> -> memref<1x128xi32, #tpu.memory_space<vmem>>
      %dma_start3A_215 = tpu.memref_squeeze %dma_start3A_214 : memref<1x128xi32, #tpu.memory_space<vmem>> -> memref<128xi32, #tpu.memory_space<vmem>>
      %dma_start3A_216 = arith.constant 0 : i32
      %dma_start3A_217 = arith.constant 0 : i32
      %dma_start3A_218 = tpu.memref_slice %arg9[%dma_start3A_216, %dma_start3A_217] : memref<10240x64xf32, #tpu.memory_space<vmem_shared>> -> memref<10240x64xf32, #tpu.memory_space<vmem_shared>>
      tpu.enqueue_indirect_dma source(%dma_start3A_212 : memref<128x64xf32, #tpu.memory_space<vmem>>) target(%dma_start3A_218 : memref<10240x64xf32, #tpu.memory_space<vmem_shared>>) offsets(%dma_start3A_215 : memref<128xi32, #tpu.memory_space<vmem>>) semaphore(%arg16 : memref<!tpu.dma_semaphore, #tpu.memory_space<semaphore_mem>>) {add = true}
      %dma_wait3A_219 = arith.constant 2 : i32
      %dma_wait3A_220 = arith.constant 0 : i32
      %dma_wait3A_221 = arith.constant 0 : i32
      %dma_wait3A_222 = tpu.memref_slice %arg8[%dma_wait3A_219, %dma_wait3A_220, %dma_wait3A_221] : memref<4x128x64xf32, #tpu.memory_space<vmem>> -> memref<1x128x64xf32, #tpu.memory_space<vmem>>
      %dma_wait3A_223 = tpu.memref_squeeze %dma_wait3A_222 : memref<1x128x64xf32, #tpu.memory_space<vmem>> -> memref<128x64xf32, #tpu.memory_space<vmem>>
      %dma_wait3A_224 = arith.constant 0 : i32
      %dma_wait3A_225 = tpu.memref_slice %arg7[%add3A_196, %dma_wait3A_224] : memref<160x128xi32, #tpu.memory_space<vmem>> -> memref<1x128xi32, #tpu.memory_space<vmem>>
      %dma_wait3A_226 = tpu.memref_squeeze %dma_wait3A_225 : memref<1x128xi32, #tpu.memory_space<vmem>> -> memref<128xi32, #tpu.memory_space<vmem>>
      %dma_wait3A_227 = arith.constant 0 : i32
      %dma_wait3A_228 = arith.constant 0 : i32
      %dma_wait3A_229 = tpu.memref_slice %arg9[%dma_wait3A_227, %dma_wait3A_228] : memref<10240x64xf32, #tpu.memory_space<vmem_shared>> -> memref<10240x64xf32, #tpu.memory_space<vmem_shared>>
      tpu.wait_indirect_dma semaphore(%arg16 : memref<!tpu.dma_semaphore, #tpu.memory_space<semaphore_mem>>) src(%dma_wait3A_223 : memref<128x64xf32, #tpu.memory_space<vmem>>) dst(%dma_wait3A_229 : memref<10240x64xf32, #tpu.memory_space<vmem_shared>>)
      %lt3A_230 = arith.constant 39 : i32
      %lt3A_231 = arith.cmpi slt, %scan3A_112, %lt3A_230 : i32
      %convert_element_type3A_232 = arith.extui %lt3A_231 : i1 to i32
      %cond3A_233 = arith.constant 0 : i32
      %cond3A_234 = arith.cmpi ne, %convert_element_type3A_232, %cond3A_233 : i32
      scf.if %cond3A_234 {
        %add3A_277 = arith.constant 4 : i32
        %add3A_278 = arith.addi %add3A_196, %add3A_277 : i32
        %dma_start3A_279 = arith.constant 2 : i32
        %dma_start3A_280 = arith.constant 0 : i32
        %dma_start3A_281 = arith.constant 0 : i32
        %dma_start3A_282 = tpu.memref_slice %arg8[%dma_start3A_279, %dma_start3A_280, %dma_start3A_281] : memref<4x128x64xf32, #tpu.memory_space<vmem>> -> memref<1x128x64xf32, #tpu.memory_space<vmem>>
        %dma_start3A_283 = tpu.memref_squeeze %dma_start3A_282 : memref<1x128x64xf32, #tpu.memory_space<vmem>> -> memref<128x64xf32, #tpu.memory_space<vmem>>
        %dma_start3A_284 = arith.constant 0 : i32
        %dma_start3A_285 = tpu.memref_slice %arg6[%add3A_278, %dma_start3A_284] : memref<160x128xi32, #tpu.memory_space<vmem>> -> memref<1x128xi32, #tpu.memory_space<vmem>>
        %dma_start3A_286 = tpu.memref_squeeze %dma_start3A_285 : memref<1x128xi32, #tpu.memory_space<vmem>> -> memref<128xi32, #tpu.memory_space<vmem>>
        %dma_start3A_287 = arith.constant 0 : i32
        %dma_start3A_288 = arith.constant 0 : i32
        %dma_start3A_289 = tpu.memref_slice %arg2[%dma_start3A_287, %dma_start3A_288] : memref<20000x64xf32, #tpu.memory_space<hbm>> -> memref<20000x64xf32, #tpu.memory_space<hbm>>
        tpu.enqueue_indirect_dma source(%dma_start3A_289 : memref<20000x64xf32, #tpu.memory_space<hbm>>) target(%dma_start3A_283 : memref<128x64xf32, #tpu.memory_space<vmem>>) offsets(%dma_start3A_286 : memref<128xi32, #tpu.memory_space<vmem>>) semaphore(%arg12 : memref<!tpu.dma_semaphore, #tpu.memory_space<semaphore_mem>>)
      } else {
      }
      %mul3A_235 = arith.constant 4 : i32
      %mul3A_236 = arith.muli %scan3A_112, %mul3A_235 : i32
      %add3A_237 = arith.constant 3 : i32
      %add3A_238 = arith.addi %mul3A_236, %add3A_237 : i32
      %dma_wait3A_239 = arith.constant 3 : i32
      %dma_wait3A_240 = arith.constant 0 : i32
      %dma_wait3A_241 = arith.constant 0 : i32
      %dma_wait3A_242 = tpu.memref_slice %arg8[%dma_wait3A_239, %dma_wait3A_240, %dma_wait3A_241] : memref<4x128x64xf32, #tpu.memory_space<vmem>> -> memref<1x128x64xf32, #tpu.memory_space<vmem>>
      %dma_wait3A_243 = tpu.memref_squeeze %dma_wait3A_242 : memref<1x128x64xf32, #tpu.memory_space<vmem>> -> memref<128x64xf32, #tpu.memory_space<vmem>>
      %dma_wait3A_244 = arith.constant 0 : i32
      %dma_wait3A_245 = tpu.memref_slice %arg6[%add3A_238, %dma_wait3A_244] : memref<160x128xi32, #tpu.memory_space<vmem>> -> memref<1x128xi32, #tpu.memory_space<vmem>>
      %dma_wait3A_246 = tpu.memref_squeeze %dma_wait3A_245 : memref<1x128xi32, #tpu.memory_space<vmem>> -> memref<128xi32, #tpu.memory_space<vmem>>
      %dma_wait3A_247 = arith.constant 0 : i32
      %dma_wait3A_248 = arith.constant 0 : i32
      %dma_wait3A_249 = tpu.memref_slice %arg2[%dma_wait3A_247, %dma_wait3A_248] : memref<20000x64xf32, #tpu.memory_space<hbm>> -> memref<20000x64xf32, #tpu.memory_space<hbm>>
      tpu.wait_indirect_dma semaphore(%arg13 : memref<!tpu.dma_semaphore, #tpu.memory_space<semaphore_mem>>) src(%dma_wait3A_249 : memref<20000x64xf32, #tpu.memory_space<hbm>>) dst(%dma_wait3A_243 : memref<128x64xf32, #tpu.memory_space<vmem>>)
      %dma_start3A_250 = arith.constant 3 : i32
      %dma_start3A_251 = arith.constant 0 : i32
      %dma_start3A_252 = arith.constant 0 : i32
      %dma_start3A_253 = tpu.memref_slice %arg8[%dma_start3A_250, %dma_start3A_251, %dma_start3A_252] : memref<4x128x64xf32, #tpu.memory_space<vmem>> -> memref<1x128x64xf32, #tpu.memory_space<vmem>>
      %dma_start3A_254 = tpu.memref_squeeze %dma_start3A_253 : memref<1x128x64xf32, #tpu.memory_space<vmem>> -> memref<128x64xf32, #tpu.memory_space<vmem>>
      %dma_start3A_255 = arith.constant 0 : i32
      %dma_start3A_256 = tpu.memref_slice %arg7[%add3A_238, %dma_start3A_255] : memref<160x128xi32, #tpu.memory_space<vmem>> -> memref<1x128xi32, #tpu.memory_space<vmem>>
      %dma_start3A_257 = tpu.memref_squeeze %dma_start3A_256 : memref<1x128xi32, #tpu.memory_space<vmem>> -> memref<128xi32, #tpu.memory_space<vmem>>
      %dma_start3A_258 = arith.constant 0 : i32
      %dma_start3A_259 = arith.constant 0 : i32
      %dma_start3A_260 = tpu.memref_slice %arg9[%dma_start3A_258, %dma_start3A_259] : memref<10240x64xf32, #tpu.memory_space<vmem_shared>> -> memref<10240x64xf32, #tpu.memory_space<vmem_shared>>
      tpu.enqueue_indirect_dma source(%dma_start3A_254 : memref<128x64xf32, #tpu.memory_space<vmem>>) target(%dma_start3A_260 : memref<10240x64xf32, #tpu.memory_space<vmem_shared>>) offsets(%dma_start3A_257 : memref<128xi32, #tpu.memory_space<vmem>>) semaphore(%arg17 : memref<!tpu.dma_semaphore, #tpu.memory_space<semaphore_mem>>) {add = true}
      %dma_wait3A_261 = arith.constant 3 : i32
      %dma_wait3A_262 = arith.constant 0 : i32
      %dma_wait3A_263 = arith.constant 0 : i32
      %dma_wait3A_264 = tpu.memref_slice %arg8[%dma_wait3A_261, %dma_wait3A_262, %dma_wait3A_263] : memref<4x128x64xf32, #tpu.memory_space<vmem>> -> memref<1x128x64xf32, #tpu.memory_space<vmem>>
      %dma_wait3A_265 = tpu.memref_squeeze %dma_wait3A_264 : memref<1x128x64xf32, #tpu.memory_space<vmem>> -> memref<128x64xf32, #tpu.memory_space<vmem>>
      %dma_wait3A_266 = arith.constant 0 : i32
      %dma_wait3A_267 = tpu.memref_slice %arg7[%add3A_238, %dma_wait3A_266] : memref<160x128xi32, #tpu.memory_space<vmem>> -> memref<1x128xi32, #tpu.memory_space<vmem>>
      %dma_wait3A_268 = tpu.memref_squeeze %dma_wait3A_267 : memref<1x128xi32, #tpu.memory_space<vmem>> -> memref<128xi32, #tpu.memory_space<vmem>>
      %dma_wait3A_269 = arith.constant 0 : i32
      %dma_wait3A_270 = arith.constant 0 : i32
      %dma_wait3A_271 = tpu.memref_slice %arg9[%dma_wait3A_269, %dma_wait3A_270] : memref<10240x64xf32, #tpu.memory_space<vmem_shared>> -> memref<10240x64xf32, #tpu.memory_space<vmem_shared>>
      tpu.wait_indirect_dma semaphore(%arg17 : memref<!tpu.dma_semaphore, #tpu.memory_space<semaphore_mem>>) src(%dma_wait3A_265 : memref<128x64xf32, #tpu.memory_space<vmem>>) dst(%dma_wait3A_271 : memref<10240x64xf32, #tpu.memory_space<vmem_shared>>)
      %lt3A_272 = arith.constant 39 : i32
      %lt3A_273 = arith.cmpi slt, %scan3A_112, %lt3A_272 : i32
      %convert_element_type3A_274 = arith.extui %lt3A_273 : i1 to i32
      %cond3A_275 = arith.constant 0 : i32
      %cond3A_276 = arith.cmpi ne, %convert_element_type3A_274, %cond3A_275 : i32
      scf.if %cond3A_276 {
        %add3A_277 = arith.constant 4 : i32
        %add3A_278 = arith.addi %add3A_238, %add3A_277 : i32
        %dma_start3A_279 = arith.constant 3 : i32
        %dma_start3A_280 = arith.constant 0 : i32
        %dma_start3A_281 = arith.constant 0 : i32
        %dma_start3A_282 = tpu.memref_slice %arg8[%dma_start3A_279, %dma_start3A_280, %dma_start3A_281] : memref<4x128x64xf32, #tpu.memory_space<vmem>> -> memref<1x128x64xf32, #tpu.memory_space<vmem>>
        %dma_start3A_283 = tpu.memref_squeeze %dma_start3A_282 : memref<1x128x64xf32, #tpu.memory_space<vmem>> -> memref<128x64xf32, #tpu.memory_space<vmem>>
        %dma_start3A_284 = arith.constant 0 : i32
        %dma_start3A_285 = tpu.memref_slice %arg6[%add3A_278, %dma_start3A_284] : memref<160x128xi32, #tpu.memory_space<vmem>> -> memref<1x128xi32, #tpu.memory_space<vmem>>
        %dma_start3A_286 = tpu.memref_squeeze %dma_start3A_285 : memref<1x128xi32, #tpu.memory_space<vmem>> -> memref<128xi32, #tpu.memory_space<vmem>>
        %dma_start3A_287 = arith.constant 0 : i32
        %dma_start3A_288 = arith.constant 0 : i32
        %dma_start3A_289 = tpu.memref_slice %arg2[%dma_start3A_287, %dma_start3A_288] : memref<20000x64xf32, #tpu.memory_space<hbm>> -> memref<20000x64xf32, #tpu.memory_space<hbm>>
        tpu.enqueue_indirect_dma source(%dma_start3A_289 : memref<20000x64xf32, #tpu.memory_space<hbm>>) target(%dma_start3A_283 : memref<128x64xf32, #tpu.memory_space<vmem>>) offsets(%dma_start3A_286 : memref<128xi32, #tpu.memory_space<vmem>>) semaphore(%arg13 : memref<!tpu.dma_semaphore, #tpu.memory_space<semaphore_mem>>)
      } else {
      }
    }
    %scan3A_80 = arith.constant 40 : i32
    %barrier3A_81 = arith.constant 0 : index
    tpu.barrier barrier_id(%barrier3A_81)
    %mul3A_82 = arith.constant 640 : i32
    %mul3A_83 = arith.muli %arg1, %mul3A_82 : i32
    %add3A_84 = arith.constant 0 : i32
    %add3A_85 = arith.addi %mul3A_83, %add3A_84 : i32
    %run_scoped3A_86 = arith.constant 0 : i32
    "tpu.region"() ({
      %run_scoped3A_112 = tpu.sem_alloc : memref<!tpu.dma_semaphore, #tpu.memory_space<semaphore_mem>>
      %dma_start3A_113 = arith.constant 0 : i32
      %dma_start3A_114 = arith.constant 0 : i32
      %dma_start3A_115 = tpu.memref_slice %arg8[%run_scoped3A_86, %dma_start3A_113, %dma_start3A_114] : memref<4x128x64xf32, #tpu.memory_space<vmem>> -> memref<1x128x64xf32, #tpu.memory_space<vmem>>
      %dma_start3A_116 = tpu.memref_squeeze %dma_start3A_115 : memref<1x128x64xf32, #tpu.memory_space<vmem>> -> memref<128x64xf32, #tpu.memory_space<vmem>>
      %dma_start3A_117 = arith.constant 0 : i32
      %dma_start3A_118 = tpu.memref_slice %arg9[%add3A_85, %dma_start3A_117] : memref<10240x64xf32, #tpu.memory_space<vmem_shared>> -> memref<128x64xf32, #tpu.memory_space<vmem_shared>>
      %dma_start3A_119 = arith.constant 0 : i32
      %dma_start3A_120 = arith.constant 0 : i32
      %dma_start3A_121 = tpu.memref_slice %arg8[%run_scoped3A_86, %dma_start3A_119, %dma_start3A_120] : memref<4x128x64xf32, #tpu.memory_space<vmem>> -> memref<1x128x64xf32, #tpu.memory_space<vmem>>
      %dma_start3A_122 = tpu.memref_squeeze %dma_start3A_121 : memref<1x128x64xf32, #tpu.memory_space<vmem>> -> memref<128x64xf32, #tpu.memory_space<vmem>>
      %dma_start3A_123 = arith.constant 0 : i32
      %dma_start3A_124 = tpu.memref_slice %arg9[%add3A_85, %dma_start3A_123] : memref<10240x64xf32, #tpu.memory_space<vmem_shared>> -> memref<128x64xf32, #tpu.memory_space<vmem_shared>>
      tpu.enqueue_dma source(%dma_start3A_124 : memref<128x64xf32, #tpu.memory_space<vmem_shared>>) target(%dma_start3A_122 : memref<128x64xf32, #tpu.memory_space<vmem>>) target_semaphore(%run_scoped3A_112 : memref<!tpu.dma_semaphore, #tpu.memory_space<semaphore_mem>>)
      %dma_wait3A = arith.constant 0 : i32
      %dma_wait3A_125 = arith.constant 0 : i32
      %dma_wait3A_126 = tpu.memref_slice %arg8[%run_scoped3A_86, %dma_wait3A, %dma_wait3A_125] : memref<4x128x64xf32, #tpu.memory_space<vmem>> -> memref<1x128x64xf32, #tpu.memory_space<vmem>>
      %dma_wait3A_127 = tpu.memref_squeeze %dma_wait3A_126 : memref<1x128x64xf32, #tpu.memory_space<vmem>> -> memref<128x64xf32, #tpu.memory_space<vmem>>
      %dma_wait3A_128 = arith.constant 0 : i32
      %dma_wait3A_129 = tpu.memref_slice %arg9[%add3A_85, %dma_wait3A_128] : memref<10240x64xf32, #tpu.memory_space<vmem_shared>> -> memref<128x64xf32, #tpu.memory_space<vmem_shared>>
      %dma_wait3A_130 = arith.constant 0 : i32
      %dma_wait3A_131 = arith.constant 0 : i32
      %dma_wait3A_132 = tpu.memref_slice %arg8[%run_scoped3A_86, %dma_wait3A_130, %dma_wait3A_131] : memref<4x128x64xf32, #tpu.memory_space<vmem>> -> memref<1x128x64xf32, #tpu.memory_space<vmem>>
      %dma_wait3A_133 = tpu.memref_squeeze %dma_wait3A_132 : memref<1x128x64xf32, #tpu.memory_space<vmem>> -> memref<128x64xf32, #tpu.memory_space<vmem>>
      %dma_wait3A_134 = arith.constant 0 : i32
      %dma_wait3A_135 = tpu.memref_slice %arg9[%add3A_85, %dma_wait3A_134] : memref<10240x64xf32, #tpu.memory_space<vmem_shared>> -> memref<128x64xf32, #tpu.memory_space<vmem_shared>>
      tpu.wait_dma2 semaphore(%run_scoped3A_112 : memref<!tpu.dma_semaphore, #tpu.memory_space<semaphore_mem>>) src(%dma_wait3A_135 : memref<128x64xf32, #tpu.memory_space<vmem_shared>>) dst(%dma_wait3A_133 : memref<128x64xf32, #tpu.memory_space<vmem>>)
      tpu.yield
    }) : () -> ()
    %run_scoped3A_87 = arith.constant 0 : i32
    "tpu.region"() ({
      %run_scoped3A_112 = tpu.sem_alloc : memref<!tpu.dma_semaphore, #tpu.memory_space<semaphore_mem>>
      %dma_start3A_113 = arith.constant 0 : i32
      %dma_start3A_114 = arith.constant 0 : i32
      %dma_start3A_115 = tpu.memref_slice %arg8[%run_scoped3A_87, %dma_start3A_113, %dma_start3A_114] : memref<4x128x64xf32, #tpu.memory_space<vmem>> -> memref<1x128x64xf32, #tpu.memory_space<vmem>>
      %dma_start3A_116 = tpu.memref_squeeze %dma_start3A_115 : memref<1x128x64xf32, #tpu.memory_space<vmem>> -> memref<128x64xf32, #tpu.memory_space<vmem>>
      %dma_start3A_117 = arith.constant 0 : i32
      %dma_start3A_118 = tpu.memref_slice %arg5[%arg0, %add3A_85, %dma_start3A_117] : memref<2x10240x64xf32, #tpu.memory_space<hbm>> -> memref<1x128x64xf32, #tpu.memory_space<hbm>>
      %dma_start3A_119 = tpu.memref_squeeze %dma_start3A_118 : memref<1x128x64xf32, #tpu.memory_space<hbm>> -> memref<128x64xf32, #tpu.memory_space<hbm>>
      %dma_start3A_120 = arith.constant 0 : i32
      %dma_start3A_121 = tpu.memref_slice %arg5[%arg0, %add3A_85, %dma_start3A_120] : memref<2x10240x64xf32, #tpu.memory_space<hbm>> -> memref<1x128x64xf32, #tpu.memory_space<hbm>>
      %dma_start3A_122 = tpu.memref_squeeze %dma_start3A_121 : memref<1x128x64xf32, #tpu.memory_space<hbm>> -> memref<128x64xf32, #tpu.memory_space<hbm>>
      %dma_start3A_123 = arith.constant 0 : i32
      %dma_start3A_124 = arith.constant 0 : i32
      %dma_start3A_125 = tpu.memref_slice %arg8[%run_scoped3A_87, %dma_start3A_123, %dma_start3A_124] : memref<4x128x64xf32, #tpu.memory_space<vmem>> -> memref<1x128x64xf32, #tpu.memory_space<vmem>>
      %dma_start3A_126 = tpu.memref_squeeze %dma_start3A_125 : memref<1x128x64xf32, #tpu.memory_space<vmem>> -> memref<128x64xf32, #tpu.memory_space<vmem>>
      tpu.enqueue_dma source(%dma_start3A_126 : memref<128x64xf32, #tpu.memory_space<vmem>>) target(%dma_start3A_122 : memref<128x64xf32, #tpu.memory_space<hbm>>) target_semaphore(%run_scoped3A_112 : memref<!tpu.dma_semaphore, #tpu.memory_space<semaphore_mem>>)
      %dma_wait3A = arith.constant 0 : i32
      %dma_wait3A_127 = arith.constant 0 : i32
      %dma_wait3A_128 = tpu.memref_slice %arg8[%run_scoped3A_87, %dma_wait3A, %dma_wait3A_127] : memref<4x128x64xf32, #tpu.memory_space<vmem>> -> memref<1x128x64xf32, #tpu.memory_space<vmem>>
      %dma_wait3A_129 = tpu.memref_squeeze %dma_wait3A_128 : memref<1x128x64xf32, #tpu.memory_space<vmem>> -> memref<128x64xf32, #tpu.memory_space<vmem>>
      %dma_wait3A_130 = arith.constant 0 : i32
      %dma_wait3A_131 = tpu.memref_slice %arg5[%arg0, %add3A_85, %dma_wait3A_130] : memref<2x10240x64xf32, #tpu.memory_space<hbm>> -> memref<1x128x64xf32, #tpu.memory_space<hbm>>
      %dma_wait3A_132 = tpu.memref_squeeze %dma_wait3A_131 : memref<1x128x64xf32, #tpu.memory_space<hbm>> -> memref<128x64xf32, #tpu.memory_space<hbm>>
      %dma_wait3A_133 = arith.constant 0 : i32
      %dma_wait3A_134 = tpu.memref_slice %arg5[%arg0, %add3A_85, %dma_wait3A_133] : memref<2x10240x64xf32, #tpu.memory_space<hbm>> -> memref<1x128x64xf32, #tpu.memory_space<hbm>>
      %dma_wait3A_135 = tpu.memref_squeeze %dma_wait3A_134 : memref<1x128x64xf32, #tpu.memory_space<hbm>> -> memref<128x64xf32, #tpu.memory_space<hbm>>
      %dma_wait3A_136 = arith.constant 0 : i32
      %dma_wait3A_137 = arith.constant 0 : i32
      %dma_wait3A_138 = tpu.memref_slice %arg8[%run_scoped3A_87, %dma_wait3A_136, %dma_wait3A_137] : memref<4x128x64xf32, #tpu.memory_space<vmem>> -> memref<1x128x64xf32, #tpu.memory_space<vmem>>
      %dma_wait3A_139 = tpu.memref_squeeze %dma_wait3A_138 : memref<1x128x64xf32, #tpu.memory_space<vmem>> -> memref<128x64xf32, #tpu.memory_space<vmem>>
      tpu.wait_dma2 semaphore(%run_scoped3A_112 : memref<!tpu.dma_semaphore, #tpu.memory_space<semaphore_mem>>) src(%dma_wait3A_139 : memref<128x64xf32, #tpu.memory_space<vmem>>) dst(%dma_wait3A_135 : memref<128x64xf32, #tpu.memory_space<hbm>>)
      tpu.yield
    }) : () -> ()
    %mul3A_88 = arith.constant 640 : i32
    %mul3A_89 = arith.muli %arg1, %mul3A_88 : i32
    %add3A_90 = arith.constant 128 : i32
    %add3A_91 = arith.addi %mul3A_89, %add3A_90 : i32
    %run_scoped3A_92 = arith.constant 0 : i32
    "tpu.region"() ({
      %run_scoped3A_112 = tpu.sem_alloc : memref<!tpu.dma_semaphore, #tpu.memory_space<semaphore_mem>>
      %dma_start3A_113 = arith.constant 0 : i32
      %dma_start3A_114 = arith.constant 0 : i32
      %dma_start3A_115 = tpu.memref_slice %arg8[%run_scoped3A_92, %dma_start3A_113, %dma_start3A_114] : memref<4x128x64xf32, #tpu.memory_space<vmem>> -> memref<1x128x64xf32, #tpu.memory_space<vmem>>
      %dma_start3A_116 = tpu.memref_squeeze %dma_start3A_115 : memref<1x128x64xf32, #tpu.memory_space<vmem>> -> memref<128x64xf32, #tpu.memory_space<vmem>>
      %dma_start3A_117 = arith.constant 0 : i32
      %dma_start3A_118 = tpu.memref_slice %arg9[%add3A_91, %dma_start3A_117] : memref<10240x64xf32, #tpu.memory_space<vmem_shared>> -> memref<128x64xf32, #tpu.memory_space<vmem_shared>>
      %dma_start3A_119 = arith.constant 0 : i32
      %dma_start3A_120 = arith.constant 0 : i32
      %dma_start3A_121 = tpu.memref_slice %arg8[%run_scoped3A_92, %dma_start3A_119, %dma_start3A_120] : memref<4x128x64xf32, #tpu.memory_space<vmem>> -> memref<1x128x64xf32, #tpu.memory_space<vmem>>
      %dma_start3A_122 = tpu.memref_squeeze %dma_start3A_121 : memref<1x128x64xf32, #tpu.memory_space<vmem>> -> memref<128x64xf32, #tpu.memory_space<vmem>>
      %dma_start3A_123 = arith.constant 0 : i32
      %dma_start3A_124 = tpu.memref_slice %arg9[%add3A_91, %dma_start3A_123] : memref<10240x64xf32, #tpu.memory_space<vmem_shared>> -> memref<128x64xf32, #tpu.memory_space<vmem_shared>>
      tpu.enqueue_dma source(%dma_start3A_124 : memref<128x64xf32, #tpu.memory_space<vmem_shared>>) target(%dma_start3A_122 : memref<128x64xf32, #tpu.memory_space<vmem>>) target_semaphore(%run_scoped3A_112 : memref<!tpu.dma_semaphore, #tpu.memory_space<semaphore_mem>>)
      %dma_wait3A = arith.constant 0 : i32
      %dma_wait3A_125 = arith.constant 0 : i32
      %dma_wait3A_126 = tpu.memref_slice %arg8[%run_scoped3A_92, %dma_wait3A, %dma_wait3A_125] : memref<4x128x64xf32, #tpu.memory_space<vmem>> -> memref<1x128x64xf32, #tpu.memory_space<vmem>>
      %dma_wait3A_127 = tpu.memref_squeeze %dma_wait3A_126 : memref<1x128x64xf32, #tpu.memory_space<vmem>> -> memref<128x64xf32, #tpu.memory_space<vmem>>
      %dma_wait3A_128 = arith.constant 0 : i32
      %dma_wait3A_129 = tpu.memref_slice %arg9[%add3A_91, %dma_wait3A_128] : memref<10240x64xf32, #tpu.memory_space<vmem_shared>> -> memref<128x64xf32, #tpu.memory_space<vmem_shared>>
      %dma_wait3A_130 = arith.constant 0 : i32
      %dma_wait3A_131 = arith.constant 0 : i32
      %dma_wait3A_132 = tpu.memref_slice %arg8[%run_scoped3A_92, %dma_wait3A_130, %dma_wait3A_131] : memref<4x128x64xf32, #tpu.memory_space<vmem>> -> memref<1x128x64xf32, #tpu.memory_space<vmem>>
      %dma_wait3A_133 = tpu.memref_squeeze %dma_wait3A_132 : memref<1x128x64xf32, #tpu.memory_space<vmem>> -> memref<128x64xf32, #tpu.memory_space<vmem>>
      %dma_wait3A_134 = arith.constant 0 : i32
      %dma_wait3A_135 = tpu.memref_slice %arg9[%add3A_91, %dma_wait3A_134] : memref<10240x64xf32, #tpu.memory_space<vmem_shared>> -> memref<128x64xf32, #tpu.memory_space<vmem_shared>>
      tpu.wait_dma2 semaphore(%run_scoped3A_112 : memref<!tpu.dma_semaphore, #tpu.memory_space<semaphore_mem>>) src(%dma_wait3A_135 : memref<128x64xf32, #tpu.memory_space<vmem_shared>>) dst(%dma_wait3A_133 : memref<128x64xf32, #tpu.memory_space<vmem>>)
      tpu.yield
    }) : () -> ()
    %run_scoped3A_93 = arith.constant 0 : i32
    "tpu.region"() ({
      %run_scoped3A_112 = tpu.sem_alloc : memref<!tpu.dma_semaphore, #tpu.memory_space<semaphore_mem>>
      %dma_start3A_113 = arith.constant 0 : i32
      %dma_start3A_114 = arith.constant 0 : i32
      %dma_start3A_115 = tpu.memref_slice %arg8[%run_scoped3A_93, %dma_start3A_113, %dma_start3A_114] : memref<4x128x64xf32, #tpu.memory_space<vmem>> -> memref<1x128x64xf32, #tpu.memory_space<vmem>>
      %dma_start3A_116 = tpu.memref_squeeze %dma_start3A_115 : memref<1x128x64xf32, #tpu.memory_space<vmem>> -> memref<128x64xf32, #tpu.memory_space<vmem>>
      %dma_start3A_117 = arith.constant 0 : i32
      %dma_start3A_118 = tpu.memref_slice %arg5[%arg0, %add3A_91, %dma_start3A_117] : memref<2x10240x64xf32, #tpu.memory_space<hbm>> -> memref<1x128x64xf32, #tpu.memory_space<hbm>>
      %dma_start3A_119 = tpu.memref_squeeze %dma_start3A_118 : memref<1x128x64xf32, #tpu.memory_space<hbm>> -> memref<128x64xf32, #tpu.memory_space<hbm>>
      %dma_start3A_120 = arith.constant 0 : i32
      %dma_start3A_121 = tpu.memref_slice %arg5[%arg0, %add3A_91, %dma_start3A_120] : memref<2x10240x64xf32, #tpu.memory_space<hbm>> -> memref<1x128x64xf32, #tpu.memory_space<hbm>>
      %dma_start3A_122 = tpu.memref_squeeze %dma_start3A_121 : memref<1x128x64xf32, #tpu.memory_space<hbm>> -> memref<128x64xf32, #tpu.memory_space<hbm>>
      %dma_start3A_123 = arith.constant 0 : i32
      %dma_start3A_124 = arith.constant 0 : i32
      %dma_start3A_125 = tpu.memref_slice %arg8[%run_scoped3A_93, %dma_start3A_123, %dma_start3A_124] : memref<4x128x64xf32, #tpu.memory_space<vmem>> -> memref<1x128x64xf32, #tpu.memory_space<vmem>>
      %dma_start3A_126 = tpu.memref_squeeze %dma_start3A_125 : memref<1x128x64xf32, #tpu.memory_space<vmem>> -> memref<128x64xf32, #tpu.memory_space<vmem>>
      tpu.enqueue_dma source(%dma_start3A_126 : memref<128x64xf32, #tpu.memory_space<vmem>>) target(%dma_start3A_122 : memref<128x64xf32, #tpu.memory_space<hbm>>) target_semaphore(%run_scoped3A_112 : memref<!tpu.dma_semaphore, #tpu.memory_space<semaphore_mem>>)
      %dma_wait3A = arith.constant 0 : i32
      %dma_wait3A_127 = arith.constant 0 : i32
      %dma_wait3A_128 = tpu.memref_slice %arg8[%run_scoped3A_93, %dma_wait3A, %dma_wait3A_127] : memref<4x128x64xf32, #tpu.memory_space<vmem>> -> memref<1x128x64xf32, #tpu.memory_space<vmem>>
      %dma_wait3A_129 = tpu.memref_squeeze %dma_wait3A_128 : memref<1x128x64xf32, #tpu.memory_space<vmem>> -> memref<128x64xf32, #tpu.memory_space<vmem>>
      %dma_wait3A_130 = arith.constant 0 : i32
      %dma_wait3A_131 = tpu.memref_slice %arg5[%arg0, %add3A_91, %dma_wait3A_130] : memref<2x10240x64xf32, #tpu.memory_space<hbm>> -> memref<1x128x64xf32, #tpu.memory_space<hbm>>
      %dma_wait3A_132 = tpu.memref_squeeze %dma_wait3A_131 : memref<1x128x64xf32, #tpu.memory_space<hbm>> -> memref<128x64xf32, #tpu.memory_space<hbm>>
      %dma_wait3A_133 = arith.constant 0 : i32
      %dma_wait3A_134 = tpu.memref_slice %arg5[%arg0, %add3A_91, %dma_wait3A_133] : memref<2x10240x64xf32, #tpu.memory_space<hbm>> -> memref<1x128x64xf32, #tpu.memory_space<hbm>>
      %dma_wait3A_135 = tpu.memref_squeeze %dma_wait3A_134 : memref<1x128x64xf32, #tpu.memory_space<hbm>> -> memref<128x64xf32, #tpu.memory_space<hbm>>
      %dma_wait3A_136 = arith.constant 0 : i32
      %dma_wait3A_137 = arith.constant 0 : i32
      %dma_wait3A_138 = tpu.memref_slice %arg8[%run_scoped3A_93, %dma_wait3A_136, %dma_wait3A_137] : memref<4x128x64xf32, #tpu.memory_space<vmem>> -> memref<1x128x64xf32, #tpu.memory_space<vmem>>
      %dma_wait3A_139 = tpu.memref_squeeze %dma_wait3A_138 : memref<1x128x64xf32, #tpu.memory_space<vmem>> -> memref<128x64xf32, #tpu.memory_space<vmem>>
      tpu.wait_dma2 semaphore(%run_scoped3A_112 : memref<!tpu.dma_semaphore, #tpu.memory_space<semaphore_mem>>) src(%dma_wait3A_139 : memref<128x64xf32, #tpu.memory_space<vmem>>) dst(%dma_wait3A_135 : memref<128x64xf32, #tpu.memory_space<hbm>>)
      tpu.yield
    }) : () -> ()
    %mul3A_94 = arith.constant 640 : i32
    %mul3A_95 = arith.muli %arg1, %mul3A_94 : i32
    %add3A_96 = arith.constant 256 : i32
    %add3A_97 = arith.addi %mul3A_95, %add3A_96 : i32
    %run_scoped3A_98 = arith.constant 0 : i32
    "tpu.region"() ({
      %run_scoped3A_112 = tpu.sem_alloc : memref<!tpu.dma_semaphore, #tpu.memory_space<semaphore_mem>>
      %dma_start3A_113 = arith.constant 0 : i32
      %dma_start3A_114 = arith.constant 0 : i32
      %dma_start3A_115 = tpu.memref_slice %arg8[%run_scoped3A_98, %dma_start3A_113, %dma_start3A_114] : memref<4x128x64xf32, #tpu.memory_space<vmem>> -> memref<1x128x64xf32, #tpu.memory_space<vmem>>
      %dma_start3A_116 = tpu.memref_squeeze %dma_start3A_115 : memref<1x128x64xf32, #tpu.memory_space<vmem>> -> memref<128x64xf32, #tpu.memory_space<vmem>>
      %dma_start3A_117 = arith.constant 0 : i32
      %dma_start3A_118 = tpu.memref_slice %arg9[%add3A_97, %dma_start3A_117] : memref<10240x64xf32, #tpu.memory_space<vmem_shared>> -> memref<128x64xf32, #tpu.memory_space<vmem_shared>>
      %dma_start3A_119 = arith.constant 0 : i32
      %dma_start3A_120 = arith.constant 0 : i32
      %dma_start3A_121 = tpu.memref_slice %arg8[%run_scoped3A_98, %dma_start3A_119, %dma_start3A_120] : memref<4x128x64xf32, #tpu.memory_space<vmem>> -> memref<1x128x64xf32, #tpu.memory_space<vmem>>
      %dma_start3A_122 = tpu.memref_squeeze %dma_start3A_121 : memref<1x128x64xf32, #tpu.memory_space<vmem>> -> memref<128x64xf32, #tpu.memory_space<vmem>>
      %dma_start3A_123 = arith.constant 0 : i32
      %dma_start3A_124 = tpu.memref_slice %arg9[%add3A_97, %dma_start3A_123] : memref<10240x64xf32, #tpu.memory_space<vmem_shared>> -> memref<128x64xf32, #tpu.memory_space<vmem_shared>>
      tpu.enqueue_dma source(%dma_start3A_124 : memref<128x64xf32, #tpu.memory_space<vmem_shared>>) target(%dma_start3A_122 : memref<128x64xf32, #tpu.memory_space<vmem>>) target_semaphore(%run_scoped3A_112 : memref<!tpu.dma_semaphore, #tpu.memory_space<semaphore_mem>>)
      %dma_wait3A = arith.constant 0 : i32
      %dma_wait3A_125 = arith.constant 0 : i32
      %dma_wait3A_126 = tpu.memref_slice %arg8[%run_scoped3A_98, %dma_wait3A, %dma_wait3A_125] : memref<4x128x64xf32, #tpu.memory_space<vmem>> -> memref<1x128x64xf32, #tpu.memory_space<vmem>>
      %dma_wait3A_127 = tpu.memref_squeeze %dma_wait3A_126 : memref<1x128x64xf32, #tpu.memory_space<vmem>> -> memref<128x64xf32, #tpu.memory_space<vmem>>
      %dma_wait3A_128 = arith.constant 0 : i32
      %dma_wait3A_129 = tpu.memref_slice %arg9[%add3A_97, %dma_wait3A_128] : memref<10240x64xf32, #tpu.memory_space<vmem_shared>> -> memref<128x64xf32, #tpu.memory_space<vmem_shared>>
      %dma_wait3A_130 = arith.constant 0 : i32
      %dma_wait3A_131 = arith.constant 0 : i32
      %dma_wait3A_132 = tpu.memref_slice %arg8[%run_scoped3A_98, %dma_wait3A_130, %dma_wait3A_131] : memref<4x128x64xf32, #tpu.memory_space<vmem>> -> memref<1x128x64xf32, #tpu.memory_space<vmem>>
      %dma_wait3A_133 = tpu.memref_squeeze %dma_wait3A_132 : memref<1x128x64xf32, #tpu.memory_space<vmem>> -> memref<128x64xf32, #tpu.memory_space<vmem>>
      %dma_wait3A_134 = arith.constant 0 : i32
      %dma_wait3A_135 = tpu.memref_slice %arg9[%add3A_97, %dma_wait3A_134] : memref<10240x64xf32, #tpu.memory_space<vmem_shared>> -> memref<128x64xf32, #tpu.memory_space<vmem_shared>>
      tpu.wait_dma2 semaphore(%run_scoped3A_112 : memref<!tpu.dma_semaphore, #tpu.memory_space<semaphore_mem>>) src(%dma_wait3A_135 : memref<128x64xf32, #tpu.memory_space<vmem_shared>>) dst(%dma_wait3A_133 : memref<128x64xf32, #tpu.memory_space<vmem>>)
      tpu.yield
    }) : () -> ()
    %run_scoped3A_99 = arith.constant 0 : i32
    "tpu.region"() ({
      %run_scoped3A_112 = tpu.sem_alloc : memref<!tpu.dma_semaphore, #tpu.memory_space<semaphore_mem>>
      %dma_start3A_113 = arith.constant 0 : i32
      %dma_start3A_114 = arith.constant 0 : i32
      %dma_start3A_115 = tpu.memref_slice %arg8[%run_scoped3A_99, %dma_start3A_113, %dma_start3A_114] : memref<4x128x64xf32, #tpu.memory_space<vmem>> -> memref<1x128x64xf32, #tpu.memory_space<vmem>>
      %dma_start3A_116 = tpu.memref_squeeze %dma_start3A_115 : memref<1x128x64xf32, #tpu.memory_space<vmem>> -> memref<128x64xf32, #tpu.memory_space<vmem>>
      %dma_start3A_117 = arith.constant 0 : i32
      %dma_start3A_118 = tpu.memref_slice %arg5[%arg0, %add3A_97, %dma_start3A_117] : memref<2x10240x64xf32, #tpu.memory_space<hbm>> -> memref<1x128x64xf32, #tpu.memory_space<hbm>>
      %dma_start3A_119 = tpu.memref_squeeze %dma_start3A_118 : memref<1x128x64xf32, #tpu.memory_space<hbm>> -> memref<128x64xf32, #tpu.memory_space<hbm>>
      %dma_start3A_120 = arith.constant 0 : i32
      %dma_start3A_121 = tpu.memref_slice %arg5[%arg0, %add3A_97, %dma_start3A_120] : memref<2x10240x64xf32, #tpu.memory_space<hbm>> -> memref<1x128x64xf32, #tpu.memory_space<hbm>>
      %dma_start3A_122 = tpu.memref_squeeze %dma_start3A_121 : memref<1x128x64xf32, #tpu.memory_space<hbm>> -> memref<128x64xf32, #tpu.memory_space<hbm>>
      %dma_start3A_123 = arith.constant 0 : i32
      %dma_start3A_124 = arith.constant 0 : i32
      %dma_start3A_125 = tpu.memref_slice %arg8[%run_scoped3A_99, %dma_start3A_123, %dma_start3A_124] : memref<4x128x64xf32, #tpu.memory_space<vmem>> -> memref<1x128x64xf32, #tpu.memory_space<vmem>>
      %dma_start3A_126 = tpu.memref_squeeze %dma_start3A_125 : memref<1x128x64xf32, #tpu.memory_space<vmem>> -> memref<128x64xf32, #tpu.memory_space<vmem>>
      tpu.enqueue_dma source(%dma_start3A_126 : memref<128x64xf32, #tpu.memory_space<vmem>>) target(%dma_start3A_122 : memref<128x64xf32, #tpu.memory_space<hbm>>) target_semaphore(%run_scoped3A_112 : memref<!tpu.dma_semaphore, #tpu.memory_space<semaphore_mem>>)
      %dma_wait3A = arith.constant 0 : i32
      %dma_wait3A_127 = arith.constant 0 : i32
      %dma_wait3A_128 = tpu.memref_slice %arg8[%run_scoped3A_99, %dma_wait3A, %dma_wait3A_127] : memref<4x128x64xf32, #tpu.memory_space<vmem>> -> memref<1x128x64xf32, #tpu.memory_space<vmem>>
      %dma_wait3A_129 = tpu.memref_squeeze %dma_wait3A_128 : memref<1x128x64xf32, #tpu.memory_space<vmem>> -> memref<128x64xf32, #tpu.memory_space<vmem>>
      %dma_wait3A_130 = arith.constant 0 : i32
      %dma_wait3A_131 = tpu.memref_slice %arg5[%arg0, %add3A_97, %dma_wait3A_130] : memref<2x10240x64xf32, #tpu.memory_space<hbm>> -> memref<1x128x64xf32, #tpu.memory_space<hbm>>
      %dma_wait3A_132 = tpu.memref_squeeze %dma_wait3A_131 : memref<1x128x64xf32, #tpu.memory_space<hbm>> -> memref<128x64xf32, #tpu.memory_space<hbm>>
      %dma_wait3A_133 = arith.constant 0 : i32
      %dma_wait3A_134 = tpu.memref_slice %arg5[%arg0, %add3A_97, %dma_wait3A_133] : memref<2x10240x64xf32, #tpu.memory_space<hbm>> -> memref<1x128x64xf32, #tpu.memory_space<hbm>>
      %dma_wait3A_135 = tpu.memref_squeeze %dma_wait3A_134 : memref<1x128x64xf32, #tpu.memory_space<hbm>> -> memref<128x64xf32, #tpu.memory_space<hbm>>
      %dma_wait3A_136 = arith.constant 0 : i32
      %dma_wait3A_137 = arith.constant 0 : i32
      %dma_wait3A_138 = tpu.memref_slice %arg8[%run_scoped3A_99, %dma_wait3A_136, %dma_wait3A_137] : memref<4x128x64xf32, #tpu.memory_space<vmem>> -> memref<1x128x64xf32, #tpu.memory_space<vmem>>
      %dma_wait3A_139 = tpu.memref_squeeze %dma_wait3A_138 : memref<1x128x64xf32, #tpu.memory_space<vmem>> -> memref<128x64xf32, #tpu.memory_space<vmem>>
      tpu.wait_dma2 semaphore(%run_scoped3A_112 : memref<!tpu.dma_semaphore, #tpu.memory_space<semaphore_mem>>) src(%dma_wait3A_139 : memref<128x64xf32, #tpu.memory_space<vmem>>) dst(%dma_wait3A_135 : memref<128x64xf32, #tpu.memory_space<hbm>>)
      tpu.yield
    }) : () -> ()
    %mul3A_100 = arith.constant 640 : i32
    %mul3A_101 = arith.muli %arg1, %mul3A_100 : i32
    %add3A_102 = arith.constant 384 : i32
    %add3A_103 = arith.addi %mul3A_101, %add3A_102 : i32
    %run_scoped3A_104 = arith.constant 0 : i32
    "tpu.region"() ({
      %run_scoped3A_112 = tpu.sem_alloc : memref<!tpu.dma_semaphore, #tpu.memory_space<semaphore_mem>>
      %dma_start3A_113 = arith.constant 0 : i32
      %dma_start3A_114 = arith.constant 0 : i32
      %dma_start3A_115 = tpu.memref_slice %arg8[%run_scoped3A_104, %dma_start3A_113, %dma_start3A_114] : memref<4x128x64xf32, #tpu.memory_space<vmem>> -> memref<1x128x64xf32, #tpu.memory_space<vmem>>
      %dma_start3A_116 = tpu.memref_squeeze %dma_start3A_115 : memref<1x128x64xf32, #tpu.memory_space<vmem>> -> memref<128x64xf32, #tpu.memory_space<vmem>>
      %dma_start3A_117 = arith.constant 0 : i32
      %dma_start3A_118 = tpu.memref_slice %arg9[%add3A_103, %dma_start3A_117] : memref<10240x64xf32, #tpu.memory_space<vmem_shared>> -> memref<128x64xf32, #tpu.memory_space<vmem_shared>>
      %dma_start3A_119 = arith.constant 0 : i32
      %dma_start3A_120 = arith.constant 0 : i32
      %dma_start3A_121 = tpu.memref_slice %arg8[%run_scoped3A_104, %dma_start3A_119, %dma_start3A_120] : memref<4x128x64xf32, #tpu.memory_space<vmem>> -> memref<1x128x64xf32, #tpu.memory_space<vmem>>
      %dma_start3A_122 = tpu.memref_squeeze %dma_start3A_121 : memref<1x128x64xf32, #tpu.memory_space<vmem>> -> memref<128x64xf32, #tpu.memory_space<vmem>>
      %dma_start3A_123 = arith.constant 0 : i32
      %dma_start3A_124 = tpu.memref_slice %arg9[%add3A_103, %dma_start3A_123] : memref<10240x64xf32, #tpu.memory_space<vmem_shared>> -> memref<128x64xf32, #tpu.memory_space<vmem_shared>>
      tpu.enqueue_dma source(%dma_start3A_124 : memref<128x64xf32, #tpu.memory_space<vmem_shared>>) target(%dma_start3A_122 : memref<128x64xf32, #tpu.memory_space<vmem>>) target_semaphore(%run_scoped3A_112 : memref<!tpu.dma_semaphore, #tpu.memory_space<semaphore_mem>>)
      %dma_wait3A = arith.constant 0 : i32
      %dma_wait3A_125 = arith.constant 0 : i32
      %dma_wait3A_126 = tpu.memref_slice %arg8[%run_scoped3A_104, %dma_wait3A, %dma_wait3A_125] : memref<4x128x64xf32, #tpu.memory_space<vmem>> -> memref<1x128x64xf32, #tpu.memory_space<vmem>>
      %dma_wait3A_127 = tpu.memref_squeeze %dma_wait3A_126 : memref<1x128x64xf32, #tpu.memory_space<vmem>> -> memref<128x64xf32, #tpu.memory_space<vmem>>
      %dma_wait3A_128 = arith.constant 0 : i32
      %dma_wait3A_129 = tpu.memref_slice %arg9[%add3A_103, %dma_wait3A_128] : memref<10240x64xf32, #tpu.memory_space<vmem_shared>> -> memref<128x64xf32, #tpu.memory_space<vmem_shared>>
      %dma_wait3A_130 = arith.constant 0 : i32
      %dma_wait3A_131 = arith.constant 0 : i32
      %dma_wait3A_132 = tpu.memref_slice %arg8[%run_scoped3A_104, %dma_wait3A_130, %dma_wait3A_131] : memref<4x128x64xf32, #tpu.memory_space<vmem>> -> memref<1x128x64xf32, #tpu.memory_space<vmem>>
      %dma_wait3A_133 = tpu.memref_squeeze %dma_wait3A_132 : memref<1x128x64xf32, #tpu.memory_space<vmem>> -> memref<128x64xf32, #tpu.memory_space<vmem>>
      %dma_wait3A_134 = arith.constant 0 : i32
      %dma_wait3A_135 = tpu.memref_slice %arg9[%add3A_103, %dma_wait3A_134] : memref<10240x64xf32, #tpu.memory_space<vmem_shared>> -> memref<128x64xf32, #tpu.memory_space<vmem_shared>>
      tpu.wait_dma2 semaphore(%run_scoped3A_112 : memref<!tpu.dma_semaphore, #tpu.memory_space<semaphore_mem>>) src(%dma_wait3A_135 : memref<128x64xf32, #tpu.memory_space<vmem_shared>>) dst(%dma_wait3A_133 : memref<128x64xf32, #tpu.memory_space<vmem>>)
      tpu.yield
    }) : () -> ()
    %run_scoped3A_105 = arith.constant 0 : i32
    "tpu.region"() ({
      %run_scoped3A_112 = tpu.sem_alloc : memref<!tpu.dma_semaphore, #tpu.memory_space<semaphore_mem>>
      %dma_start3A_113 = arith.constant 0 : i32
      %dma_start3A_114 = arith.constant 0 : i32
      %dma_start3A_115 = tpu.memref_slice %arg8[%run_scoped3A_105, %dma_start3A_113, %dma_start3A_114] : memref<4x128x64xf32, #tpu.memory_space<vmem>> -> memref<1x128x64xf32, #tpu.memory_space<vmem>>
      %dma_start3A_116 = tpu.memref_squeeze %dma_start3A_115 : memref<1x128x64xf32, #tpu.memory_space<vmem>> -> memref<128x64xf32, #tpu.memory_space<vmem>>
      %dma_start3A_117 = arith.constant 0 : i32
      %dma_start3A_118 = tpu.memref_slice %arg5[%arg0, %add3A_103, %dma_start3A_117] : memref<2x10240x64xf32, #tpu.memory_space<hbm>> -> memref<1x128x64xf32, #tpu.memory_space<hbm>>
      %dma_start3A_119 = tpu.memref_squeeze %dma_start3A_118 : memref<1x128x64xf32, #tpu.memory_space<hbm>> -> memref<128x64xf32, #tpu.memory_space<hbm>>
      %dma_start3A_120 = arith.constant 0 : i32
      %dma_start3A_121 = tpu.memref_slice %arg5[%arg0, %add3A_103, %dma_start3A_120] : memref<2x10240x64xf32, #tpu.memory_space<hbm>> -> memref<1x128x64xf32, #tpu.memory_space<hbm>>
      %dma_start3A_122 = tpu.memref_squeeze %dma_start3A_121 : memref<1x128x64xf32, #tpu.memory_space<hbm>> -> memref<128x64xf32, #tpu.memory_space<hbm>>
      %dma_start3A_123 = arith.constant 0 : i32
      %dma_start3A_124 = arith.constant 0 : i32
      %dma_start3A_125 = tpu.memref_slice %arg8[%run_scoped3A_105, %dma_start3A_123, %dma_start3A_124] : memref<4x128x64xf32, #tpu.memory_space<vmem>> -> memref<1x128x64xf32, #tpu.memory_space<vmem>>
      %dma_start3A_126 = tpu.memref_squeeze %dma_start3A_125 : memref<1x128x64xf32, #tpu.memory_space<vmem>> -> memref<128x64xf32, #tpu.memory_space<vmem>>
      tpu.enqueue_dma source(%dma_start3A_126 : memref<128x64xf32, #tpu.memory_space<vmem>>) target(%dma_start3A_122 : memref<128x64xf32, #tpu.memory_space<hbm>>) target_semaphore(%run_scoped3A_112 : memref<!tpu.dma_semaphore, #tpu.memory_space<semaphore_mem>>)
      %dma_wait3A = arith.constant 0 : i32
      %dma_wait3A_127 = arith.constant 0 : i32
      %dma_wait3A_128 = tpu.memref_slice %arg8[%run_scoped3A_105, %dma_wait3A, %dma_wait3A_127] : memref<4x128x64xf32, #tpu.memory_space<vmem>> -> memref<1x128x64xf32, #tpu.memory_space<vmem>>
      %dma_wait3A_129 = tpu.memref_squeeze %dma_wait3A_128 : memref<1x128x64xf32, #tpu.memory_space<vmem>> -> memref<128x64xf32, #tpu.memory_space<vmem>>
      %dma_wait3A_130 = arith.constant 0 : i32
      %dma_wait3A_131 = tpu.memref_slice %arg5[%arg0, %add3A_103, %dma_wait3A_130] : memref<2x10240x64xf32, #tpu.memory_space<hbm>> -> memref<1x128x64xf32, #tpu.memory_space<hbm>>
      %dma_wait3A_132 = tpu.memref_squeeze %dma_wait3A_131 : memref<1x128x64xf32, #tpu.memory_space<hbm>> -> memref<128x64xf32, #tpu.memory_space<hbm>>
      %dma_wait3A_133 = arith.constant 0 : i32
      %dma_wait3A_134 = tpu.memref_slice %arg5[%arg0, %add3A_103, %dma_wait3A_133] : memref<2x10240x64xf32, #tpu.memory_space<hbm>> -> memref<1x128x64xf32, #tpu.memory_space<hbm>>
      %dma_wait3A_135 = tpu.memref_squeeze %dma_wait3A_134 : memref<1x128x64xf32, #tpu.memory_space<hbm>> -> memref<128x64xf32, #tpu.memory_space<hbm>>
      %dma_wait3A_136 = arith.constant 0 : i32
      %dma_wait3A_137 = arith.constant 0 : i32
      %dma_wait3A_138 = tpu.memref_slice %arg8[%run_scoped3A_105, %dma_wait3A_136, %dma_wait3A_137] : memref<4x128x64xf32, #tpu.memory_space<vmem>> -> memref<1x128x64xf32, #tpu.memory_space<vmem>>
      %dma_wait3A_139 = tpu.memref_squeeze %dma_wait3A_138 : memref<1x128x64xf32, #tpu.memory_space<vmem>> -> memref<128x64xf32, #tpu.memory_space<vmem>>
      tpu.wait_dma2 semaphore(%run_scoped3A_112 : memref<!tpu.dma_semaphore, #tpu.memory_space<semaphore_mem>>) src(%dma_wait3A_139 : memref<128x64xf32, #tpu.memory_space<vmem>>) dst(%dma_wait3A_135 : memref<128x64xf32, #tpu.memory_space<hbm>>)
      tpu.yield
    }) : () -> ()
    %mul3A_106 = arith.constant 640 : i32
    %mul3A_107 = arith.muli %arg1, %mul3A_106 : i32
    %add3A_108 = arith.constant 512 : i32
    %add3A_109 = arith.addi %mul3A_107, %add3A_108 : i32
    %run_scoped3A_110 = arith.constant 0 : i32
    "tpu.region"() ({
      %run_scoped3A_112 = tpu.sem_alloc : memref<!tpu.dma_semaphore, #tpu.memory_space<semaphore_mem>>
      %dma_start3A_113 = arith.constant 0 : i32
      %dma_start3A_114 = arith.constant 0 : i32
      %dma_start3A_115 = tpu.memref_slice %arg8[%run_scoped3A_110, %dma_start3A_113, %dma_start3A_114] : memref<4x128x64xf32, #tpu.memory_space<vmem>> -> memref<1x128x64xf32, #tpu.memory_space<vmem>>
      %dma_start3A_116 = tpu.memref_squeeze %dma_start3A_115 : memref<1x128x64xf32, #tpu.memory_space<vmem>> -> memref<128x64xf32, #tpu.memory_space<vmem>>
      %dma_start3A_117 = arith.constant 0 : i32
      %dma_start3A_118 = tpu.memref_slice %arg9[%add3A_109, %dma_start3A_117] : memref<10240x64xf32, #tpu.memory_space<vmem_shared>> -> memref<128x64xf32, #tpu.memory_space<vmem_shared>>
      %dma_start3A_119 = arith.constant 0 : i32
      %dma_start3A_120 = arith.constant 0 : i32
      %dma_start3A_121 = tpu.memref_slice %arg8[%run_scoped3A_110, %dma_start3A_119, %dma_start3A_120] : memref<4x128x64xf32, #tpu.memory_space<vmem>> -> memref<1x128x64xf32, #tpu.memory_space<vmem>>
      %dma_start3A_122 = tpu.memref_squeeze %dma_start3A_121 : memref<1x128x64xf32, #tpu.memory_space<vmem>> -> memref<128x64xf32, #tpu.memory_space<vmem>>
      %dma_start3A_123 = arith.constant 0 : i32
      %dma_start3A_124 = tpu.memref_slice %arg9[%add3A_109, %dma_start3A_123] : memref<10240x64xf32, #tpu.memory_space<vmem_shared>> -> memref<128x64xf32, #tpu.memory_space<vmem_shared>>
      tpu.enqueue_dma source(%dma_start3A_124 : memref<128x64xf32, #tpu.memory_space<vmem_shared>>) target(%dma_start3A_122 : memref<128x64xf32, #tpu.memory_space<vmem>>) target_semaphore(%run_scoped3A_112 : memref<!tpu.dma_semaphore, #tpu.memory_space<semaphore_mem>>)
      %dma_wait3A = arith.constant 0 : i32
      %dma_wait3A_125 = arith.constant 0 : i32
      %dma_wait3A_126 = tpu.memref_slice %arg8[%run_scoped3A_110, %dma_wait3A, %dma_wait3A_125] : memref<4x128x64xf32, #tpu.memory_space<vmem>> -> memref<1x128x64xf32, #tpu.memory_space<vmem>>
      %dma_wait3A_127 = tpu.memref_squeeze %dma_wait3A_126 : memref<1x128x64xf32, #tpu.memory_space<vmem>> -> memref<128x64xf32, #tpu.memory_space<vmem>>
      %dma_wait3A_128 = arith.constant 0 : i32
      %dma_wait3A_129 = tpu.memref_slice %arg9[%add3A_109, %dma_wait3A_128] : memref<10240x64xf32, #tpu.memory_space<vmem_shared>> -> memref<128x64xf32, #tpu.memory_space<vmem_shared>>
      %dma_wait3A_130 = arith.constant 0 : i32
      %dma_wait3A_131 = arith.constant 0 : i32
      %dma_wait3A_132 = tpu.memref_slice %arg8[%run_scoped3A_110, %dma_wait3A_130, %dma_wait3A_131] : memref<4x128x64xf32, #tpu.memory_space<vmem>> -> memref<1x128x64xf32, #tpu.memory_space<vmem>>
      %dma_wait3A_133 = tpu.memref_squeeze %dma_wait3A_132 : memref<1x128x64xf32, #tpu.memory_space<vmem>> -> memref<128x64xf32, #tpu.memory_space<vmem>>
      %dma_wait3A_134 = arith.constant 0 : i32
      %dma_wait3A_135 = tpu.memref_slice %arg9[%add3A_109, %dma_wait3A_134] : memref<10240x64xf32, #tpu.memory_space<vmem_shared>> -> memref<128x64xf32, #tpu.memory_space<vmem_shared>>
      tpu.wait_dma2 semaphore(%run_scoped3A_112 : memref<!tpu.dma_semaphore, #tpu.memory_space<semaphore_mem>>) src(%dma_wait3A_135 : memref<128x64xf32, #tpu.memory_space<vmem_shared>>) dst(%dma_wait3A_133 : memref<128x64xf32, #tpu.memory_space<vmem>>)
      tpu.yield
    }) : () -> ()
    %run_scoped3A_111 = arith.constant 0 : i32
    "tpu.region"() ({
      %run_scoped3A_112 = tpu.sem_alloc : memref<!tpu.dma_semaphore, #tpu.memory_space<semaphore_mem>>
      %dma_start3A_113 = arith.constant 0 : i32
      %dma_start3A_114 = arith.constant 0 : i32
      %dma_start3A_115 = tpu.memref_slice %arg8[%run_scoped3A_111, %dma_start3A_113, %dma_start3A_114] : memref<4x128x64xf32, #tpu.memory_space<vmem>> -> memref<1x128x64xf32, #tpu.memory_space<vmem>>
      %dma_start3A_116 = tpu.memref_squeeze %dma_start3A_115 : memref<1x128x64xf32, #tpu.memory_space<vmem>> -> memref<128x64xf32, #tpu.memory_space<vmem>>
      %dma_start3A_117 = arith.constant 0 : i32
      %dma_start3A_118 = tpu.memref_slice %arg5[%arg0, %add3A_109, %dma_start3A_117] : memref<2x10240x64xf32, #tpu.memory_space<hbm>> -> memref<1x128x64xf32, #tpu.memory_space<hbm>>
      %dma_start3A_119 = tpu.memref_squeeze %dma_start3A_118 : memref<1x128x64xf32, #tpu.memory_space<hbm>> -> memref<128x64xf32, #tpu.memory_space<hbm>>
      %dma_start3A_120 = arith.constant 0 : i32
      %dma_start3A_121 = tpu.memref_slice %arg5[%arg0, %add3A_109, %dma_start3A_120] : memref<2x10240x64xf32, #tpu.memory_space<hbm>> -> memref<1x128x64xf32, #tpu.memory_space<hbm>>
      %dma_start3A_122 = tpu.memref_squeeze %dma_start3A_121 : memref<1x128x64xf32, #tpu.memory_space<hbm>> -> memref<128x64xf32, #tpu.memory_space<hbm>>
      %dma_start3A_123 = arith.constant 0 : i32
      %dma_start3A_124 = arith.constant 0 : i32
      %dma_start3A_125 = tpu.memref_slice %arg8[%run_scoped3A_111, %dma_start3A_123, %dma_start3A_124] : memref<4x128x64xf32, #tpu.memory_space<vmem>> -> memref<1x128x64xf32, #tpu.memory_space<vmem>>
      %dma_start3A_126 = tpu.memref_squeeze %dma_start3A_125 : memref<1x128x64xf32, #tpu.memory_space<vmem>> -> memref<128x64xf32, #tpu.memory_space<vmem>>
      tpu.enqueue_dma source(%dma_start3A_126 : memref<128x64xf32, #tpu.memory_space<vmem>>) target(%dma_start3A_122 : memref<128x64xf32, #tpu.memory_space<hbm>>) target_semaphore(%run_scoped3A_112 : memref<!tpu.dma_semaphore, #tpu.memory_space<semaphore_mem>>)
      %dma_wait3A = arith.constant 0 : i32
      %dma_wait3A_127 = arith.constant 0 : i32
      %dma_wait3A_128 = tpu.memref_slice %arg8[%run_scoped3A_111, %dma_wait3A, %dma_wait3A_127] : memref<4x128x64xf32, #tpu.memory_space<vmem>> -> memref<1x128x64xf32, #tpu.memory_space<vmem>>
      %dma_wait3A_129 = tpu.memref_squeeze %dma_wait3A_128 : memref<1x128x64xf32, #tpu.memory_space<vmem>> -> memref<128x64xf32, #tpu.memory_space<vmem>>
      %dma_wait3A_130 = arith.constant 0 : i32
      %dma_wait3A_131 = tpu.memref_slice %arg5[%arg0, %add3A_109, %dma_wait3A_130] : memref<2x10240x64xf32, #tpu.memory_space<hbm>> -> memref<1x128x64xf32, #tpu.memory_space<hbm>>
      %dma_wait3A_132 = tpu.memref_squeeze %dma_wait3A_131 : memref<1x128x64xf32, #tpu.memory_space<hbm>> -> memref<128x64xf32, #tpu.memory_space<hbm>>
      %dma_wait3A_133 = arith.constant 0 : i32
      %dma_wait3A_134 = tpu.memref_slice %arg5[%arg0, %add3A_109, %dma_wait3A_133] : memref<2x10240x64xf32, #tpu.memory_space<hbm>> -> memref<1x128x64xf32, #tpu.memory_space<hbm>>
      %dma_wait3A_135 = tpu.memref_squeeze %dma_wait3A_134 : memref<1x128x64xf32, #tpu.memory_space<hbm>> -> memref<128x64xf32, #tpu.memory_space<hbm>>
      %dma_wait3A_136 = arith.constant 0 : i32
      %dma_wait3A_137 = arith.constant 0 : i32
      %dma_wait3A_138 = tpu.memref_slice %arg8[%run_scoped3A_111, %dma_wait3A_136, %dma_wait3A_137] : memref<4x128x64xf32, #tpu.memory_space<vmem>> -> memref<1x128x64xf32, #tpu.memory_space<vmem>>
      %dma_wait3A_139 = tpu.memref_squeeze %dma_wait3A_138 : memref<1x128x64xf32, #tpu.memory_space<vmem>> -> memref<128x64xf32, #tpu.memory_space<vmem>>
      tpu.wait_dma2 semaphore(%run_scoped3A_112 : memref<!tpu.dma_semaphore, #tpu.memory_space<semaphore_mem>>) src(%dma_wait3A_139 : memref<128x64xf32, #tpu.memory_space<vmem>>) dst(%dma_wait3A_135 : memref<128x64xf32, #tpu.memory_space<hbm>>)
      tpu.yield
    }) : () -> ()
    return
  }
}

module attributes {stable_mosaic.version = 14 : i64} {
  func.func @body(%arg0: i32, %arg1: memref<2x5000x64xf32, #tpu.memory_space<vmem>>, %arg2: memref<2x5000x64xf32, #tpu.memory_space<vmem>>, %arg3: memref<128x128xf32, #tpu.memory_space<vmem>>, %arg4: memref<1x128xf32, #tpu.memory_space<vmem>>, %arg5: memref<1x1xf32, #tpu.memory_space<vmem>>, %arg6: memref<5000x128xf32, #tpu.memory_space<vmem>>, %arg7: memref<1x128xf32, #tpu.memory_space<vmem>>, %arg8: memref<1x128xf32, #tpu.memory_space<vmem>>) attributes {dimension_semantics = [#tpu.dimension_semantics<arbitrary>], iteration_bounds = array<i64: 2>, scalar_prefetch = 0 : i64, scratch_operands = 0 : i64, tpu.core_type = #tpu.core_type<tc>, window_params = [{transform_indices = @transform_0, window_bounds = array<i64: 2, 5000, 64>}, {transform_indices = @transform_1, window_bounds = array<i64: 2, 5000, 64>}, {pipeline_mode = #tpu.pipeline_mode<synchronous>, transform_indices = @transform_2, window_bounds = array<i64: 128, 128>}, {pipeline_mode = #tpu.pipeline_mode<synchronous>, transform_indices = @transform_3, window_bounds = array<i64: 1, 128>}, {pipeline_mode = #tpu.pipeline_mode<synchronous>, transform_indices = @transform_4, window_bounds = array<i64: 1, 1>}, {transform_indices = @transform_5, window_bounds = array<i64: 5000, 128>}, {pipeline_mode = #tpu.pipeline_mode<synchronous>, transform_indices = @transform_6, window_bounds = array<i64: 1, 128>}, {pipeline_mode = #tpu.pipeline_mode<synchronous>, transform_indices = @transform_7, window_bounds = array<i64: 1, 128>}]} {
    %get3A = arith.constant 0 : index
    %get3A_0 = arith.constant 0 : index
    %get3A_1 = arith.constant 0 : index
    %get3A_2 = vector.load %arg1[%get3A, %get3A_0, %get3A_1] : memref<2x5000x64xf32, #tpu.memory_space<vmem>>, vector<1x5000x64xf32>
    %get3A_3 = vector.shape_cast %get3A_2 : vector<1x5000x64xf32> to vector<5000x64xf32>
    %get3A_4 = arith.constant 1 : index
    %get3A_5 = arith.constant 0 : index
    %get3A_6 = arith.constant 0 : index
    %get3A_7 = vector.load %arg1[%get3A_4, %get3A_5, %get3A_6] : memref<2x5000x64xf32, #tpu.memory_space<vmem>>, vector<1x5000x64xf32>
    %get3A_8 = vector.shape_cast %get3A_7 : vector<1x5000x64xf32> to vector<5000x64xf32>
    %concatenate3A = tpu.concatenate %get3A_3, %get3A_8 in 1 : vector<5000x64xf32>, vector<5000x64xf32> -> vector<5000x128xf32>
    %get3A_9 = arith.constant 0 : index
    %get3A_10 = arith.constant 0 : index
    %get3A_11 = arith.constant 0 : index
    %get3A_12 = vector.load %arg2[%get3A_9, %get3A_10, %get3A_11] : memref<2x5000x64xf32, #tpu.memory_space<vmem>>, vector<1x5000x64xf32>
    %get3A_13 = vector.shape_cast %get3A_12 : vector<1x5000x64xf32> to vector<5000x64xf32>
    %get3A_14 = arith.constant 1 : index
    %get3A_15 = arith.constant 0 : index
    %get3A_16 = arith.constant 0 : index
    %get3A_17 = vector.load %arg2[%get3A_14, %get3A_15, %get3A_16] : memref<2x5000x64xf32, #tpu.memory_space<vmem>>, vector<1x5000x64xf32>
    %get3A_18 = vector.shape_cast %get3A_17 : vector<1x5000x64xf32> to vector<5000x64xf32>
    %concatenate3A_19 = tpu.concatenate %get3A_13, %get3A_18 in 1 : vector<5000x64xf32>, vector<5000x64xf32> -> vector<5000x128xf32>
    %get3A_20 = arith.constant 0 : index
    %get3A_21 = arith.constant 0 : index
    %get3A_22 = vector.load %arg5[%get3A_20, %get3A_21] : memref<1x1xf32, #tpu.memory_space<vmem>>, vector<1x1xf32>
    %get3A_23 = vector.extract %get3A_22[0, 0] : f32 from vector<1x1xf32>
    %add3A = arith.constant 1.000000e+00 : f32
    %add3A_24 = arith.addf %add3A, %get3A_23 : f32
    %mul3A = vector.broadcast %add3A_24 : f32 to vector<5000x128xf32>
    %mul3A_25 = arith.mulf %mul3A, %concatenate3A : vector<5000x128xf32>
    %add3A_26 = arith.addf %mul3A_25, %concatenate3A_19 : vector<5000x128xf32>
    %get3A_27 = arith.constant 0 : index
    %get3A_28 = arith.constant 0 : index
    %get3A_29 = vector.load %arg3[%get3A_27, %get3A_28] : memref<128x128xf32, #tpu.memory_space<vmem>>, vector<128x128xf32>
    %dot_general3A = arith.constant dense<0.000000e+00> : vector<5000x128xf32>
    %dot_general3A_30 = tpu.matmul %add3A_26, %get3A_29, %dot_general3A {dimension_numbers = #tpu.dot_dimension_numbers<[1], [1], [0], [0], [0, 0, 1, 0], [], []>, precision = #tpu.contract_precision<fp32>, transpose_lhs_hint = false} : vector<5000x128xf32>, vector<128x128xf32>, vector<5000x128xf32> -> vector<5000x128xf32>
    %get3A_31 = arith.constant 0 : index
    %get3A_32 = arith.constant 0 : index
    %get3A_33 = vector.load %arg4[%get3A_31, %get3A_32] : memref<1x128xf32, #tpu.memory_space<vmem>>, vector<1x128xf32>
    %add3A_34 = vector.broadcast %get3A_33 : vector<1x128xf32> to vector<5000x128xf32>
    %add3A_35 = arith.addf %dot_general3A_30, %add3A_34 : vector<5000x128xf32>
    %max3A = arith.constant 0.000000e+00 : f32
    %max3A_36 = vector.broadcast %max3A : f32 to vector<5000x128xf32>
    %max3A_37 = arith.maximumf %add3A_35, %max3A_36 : vector<5000x128xf32>
    %swap3A = arith.constant 0 : index
    %swap3A_38 = arith.constant 0 : index
    %swap3A_39 = vector.load %arg6[%swap3A, %swap3A_38] : memref<5000x128xf32, #tpu.memory_space<vmem>>, vector<5000x128xf32>
    tpu.vector_store %arg6[%swap3A, %swap3A_38], %max3A_37 {strides = array<i32>} : memref<5000x128xf32, #tpu.memory_space<vmem>>, vector<5000x128xf32>,
    %eq3A = arith.constant 0 : i32
    %eq3A_40 = arith.cmpi eq, %arg0, %eq3A : i32
    %convert_element_type3A = arith.extui %eq3A_40 : i1 to i32
    %cond3A = arith.constant 0 : i32
    %cond3A_41 = arith.cmpi ne, %convert_element_type3A, %cond3A : i32
    scf.if %cond3A_41 {
      %broadcast_in_dim3A_61 = arith.constant 0.000000e+00 : f32
      %broadcast_in_dim3A_62 = vector.broadcast %broadcast_in_dim3A_61 : f32 to vector<1x128xf32>
      %swap3A_63 = arith.constant 0 : index
      %swap3A_64 = arith.constant 0 : index
      %swap3A_65 = vector.load %arg7[%swap3A_63, %swap3A_64] : memref<1x128xf32, #tpu.memory_space<vmem>>, vector<1x128xf32>
      tpu.vector_store %arg7[%swap3A_63, %swap3A_64], %broadcast_in_dim3A_62 {strides = array<i32>} : memref<1x128xf32, #tpu.memory_space<vmem>>, vector<1x128xf32>,
      %broadcast_in_dim3A_66 = arith.constant 0.000000e+00 : f32
      %broadcast_in_dim3A_67 = vector.broadcast %broadcast_in_dim3A_66 : f32 to vector<1x128xf32>
      %swap3A_68 = arith.constant 0 : index
      %swap3A_69 = arith.constant 0 : index
      %swap3A_70 = vector.load %arg8[%swap3A_68, %swap3A_69] : memref<1x128xf32, #tpu.memory_space<vmem>>, vector<1x128xf32>
      tpu.vector_store %arg8[%swap3A_68, %swap3A_69], %broadcast_in_dim3A_67 {strides = array<i32>} : memref<1x128xf32, #tpu.memory_space<vmem>>, vector<1x128xf32>,
    } else {
    }
    %get3A_42 = arith.constant 0 : index
    %get3A_43 = arith.constant 0 : index
    %get3A_44 = vector.load %arg7[%get3A_42, %get3A_43] : memref<1x128xf32, #tpu.memory_space<vmem>>, vector<1x128xf32>
    %reduce_sum3A = arith.constant dense<0.000000e+00> : vector<128xf32>
    %reduce_sum3A_45 = vector.multi_reduction <add>, %max3A_37, %reduce_sum3A [0] : vector<5000x128xf32> to vector<128xf32>
    %broadcast_in_dim3A = vector.shape_cast %reduce_sum3A_45 : vector<128xf32> to vector<1x128xf32>
    %add3A_46 = arith.addf %get3A_44, %broadcast_in_dim3A : vector<1x128xf32>
    %swap3A_47 = arith.constant 0 : index
    %swap3A_48 = arith.constant 0 : index
    %swap3A_49 = vector.load %arg7[%swap3A_47, %swap3A_48] : memref<1x128xf32, #tpu.memory_space<vmem>>, vector<1x128xf32>
    tpu.vector_store %arg7[%swap3A_47, %swap3A_48], %add3A_46 {strides = array<i32>} : memref<1x128xf32, #tpu.memory_space<vmem>>, vector<1x128xf32>,
    %get3A_50 = arith.constant 0 : index
    %get3A_51 = arith.constant 0 : index
    %get3A_52 = vector.load %arg8[%get3A_50, %get3A_51] : memref<1x128xf32, #tpu.memory_space<vmem>>, vector<1x128xf32>
    %mul3A_53 = arith.mulf %max3A_37, %max3A_37 : vector<5000x128xf32>
    %reduce_sum3A_54 = arith.constant dense<0.000000e+00> : vector<128xf32>
    %reduce_sum3A_55 = vector.multi_reduction <add>, %mul3A_53, %reduce_sum3A_54 [0] : vector<5000x128xf32> to vector<128xf32>
    %broadcast_in_dim3A_56 = vector.shape_cast %reduce_sum3A_55 : vector<128xf32> to vector<1x128xf32>
    %add3A_57 = arith.addf %get3A_52, %broadcast_in_dim3A_56 : vector<1x128xf32>
    %swap3A_58 = arith.constant 0 : index
    %swap3A_59 = arith.constant 0 : index
    %swap3A_60 = vector.load %arg8[%swap3A_58, %swap3A_59] : memref<1x128xf32, #tpu.memory_space<vmem>>, vector<1x128xf32>
    tpu.vector_store %arg8[%swap3A_58, %swap3A_59], %add3A_57 {strides = array<i32>} : memref<1x128xf32, #tpu.memory_space<vmem>>, vector<1x128xf32>,
    return
  }
  func.func @transform_0(%arg0: i32) -> (i32, i32, i32) {
    %c0_i32 = arith.constant 0 : i32
    %c0_i32_0 = arith.constant 0 : i32
    %c0_i32_1 = arith.constant 0 : i32
    return %c0_i32, %arg0, %c0_i32_0 : i32, i32, i32
  }
  func.func @transform_1(%arg0: i32) -> (i32, i32, i32) {
    %c0_i32 = arith.constant 0 : i32
    %c0_i32_0 = arith.constant 0 : i32
    %c0_i32_1 = arith.constant 0 : i32
    return %c0_i32, %arg0, %c0_i32_0 : i32, i32, i32
  }
  func.func @transform_2(%arg0: i32) -> (i32, i32) {
    %c0_i32 = arith.constant 0 : i32
    %c0_i32_0 = arith.constant 0 : i32
    %c0_i32_1 = arith.constant 0 : i32
    return %c0_i32, %c0_i32_0 : i32, i32
  }
  func.func @transform_3(%arg0: i32) -> (i32, i32) {
    %c0_i32 = arith.constant 0 : i32
    %c0_i32_0 = arith.constant 0 : i32
    %c0_i32_1 = arith.constant 0 : i32
    return %c0_i32, %c0_i32_0 : i32, i32
  }
  func.func @transform_4(%arg0: i32) -> (i32, i32) {
    %c0_i32 = arith.constant 0 : i32
    %c0_i32_0 = arith.constant 0 : i32
    %c0_i32_1 = arith.constant 0 : i32
    return %c0_i32, %c0_i32_0 : i32, i32
  }
  func.func @transform_5(%arg0: i32) -> (i32, i32) {
    %c0_i32 = arith.constant 0 : i32
    %c0_i32_0 = arith.constant 0 : i32
    return %arg0, %c0_i32 : i32, i32
  }
  func.func @transform_6(%arg0: i32) -> (i32, i32) {
    %c0_i32 = arith.constant 0 : i32
    %c0_i32_0 = arith.constant 0 : i32
    %c0_i32_1 = arith.constant 0 : i32
    return %c0_i32, %c0_i32_0 : i32, i32
  }
  func.func @transform_7(%arg0: i32) -> (i32, i32) {
    %c0_i32 = arith.constant 0 : i32
    %c0_i32_0 = arith.constant 0 : i32
    %c0_i32_1 = arith.constant 0 : i32
    return %c0_i32, %c0_i32_0 : i32, i32
  }
}

module attributes {stable_mosaic.version = 14 : i64} {
  func.func @body(%arg0: i32, %arg1: memref<5000x128xf32, #tpu.memory_space<vmem>>, %arg2: memref<1x128xf32, #tpu.memory_space<vmem>>, %arg3: memref<1x128xf32, #tpu.memory_space<vmem>>, %arg4: memref<1x128xf32, #tpu.memory_space<vmem>>, %arg5: memref<1x128xf32, #tpu.memory_space<vmem>>, %arg6: memref<5000x64xf32, #tpu.memory_space<vmem>>, %arg7: memref<2x5000x64xf32, #tpu.memory_space<vmem>>, %arg8: memref<64x128xf32, #tpu.memory_space<vmem>>) attributes {dimension_semantics = [#tpu.dimension_semantics<arbitrary>], iteration_bounds = array<i64: 2>, scalar_prefetch = 0 : i64, scratch_operands = 0 : i64, tpu.core_type = #tpu.core_type<tc>, window_params = [{transform_indices = @transform_0, window_bounds = array<i64: 5000, 128>}, {pipeline_mode = #tpu.pipeline_mode<synchronous>, transform_indices = @transform_1, window_bounds = array<i64: 1, 128>}, {pipeline_mode = #tpu.pipeline_mode<synchronous>, transform_indices = @transform_2, window_bounds = array<i64: 1, 128>}, {pipeline_mode = #tpu.pipeline_mode<synchronous>, transform_indices = @transform_3, window_bounds = array<i64: 1, 128>}, {pipeline_mode = #tpu.pipeline_mode<synchronous>, transform_indices = @transform_4, window_bounds = array<i64: 1, 128>}, {transform_indices = @transform_5, window_bounds = array<i64: 5000, 64>}, {transform_indices = @transform_6, window_bounds = array<i64: 2, 5000, 64>}, {pipeline_mode = #tpu.pipeline_mode<synchronous>, transform_indices = @transform_7, window_bounds = array<i64: 64, 128>}]} {
    %get3A = arith.constant 0 : index
    %get3A_0 = arith.constant 0 : index
    %get3A_1 = vector.load %arg2[%get3A, %get3A_0] : memref<1x128xf32, #tpu.memory_space<vmem>>, vector<1x128xf32>
    %div3A = arith.constant 1.000000e+04 : f32
    %div3A_2 = vector.broadcast %div3A : f32 to vector<1x128xf32>
    %div3A_3 = arith.divf %get3A_1, %div3A_2 : vector<1x128xf32>
    %get3A_4 = arith.constant 0 : index
    %get3A_5 = arith.constant 0 : index
    %get3A_6 = vector.load %arg3[%get3A_4, %get3A_5] : memref<1x128xf32, #tpu.memory_space<vmem>>, vector<1x128xf32>
    %div3A_7 = arith.constant 1.000000e+04 : f32
    %div3A_8 = vector.broadcast %div3A_7 : f32 to vector<1x128xf32>
    %div3A_9 = arith.divf %get3A_6, %div3A_8 : vector<1x128xf32>
    %mul3A = arith.mulf %div3A_3, %div3A_3 : vector<1x128xf32>
    %sub3A = arith.subf %div3A_9, %mul3A : vector<1x128xf32>
    %add3A = arith.constant 9.99999974E-6 : f32
    %add3A_10 = vector.broadcast %add3A : f32 to vector<1x128xf32>
    %add3A_11 = arith.addf %sub3A, %add3A_10 : vector<1x128xf32>
    %rsqrt3A = math.rsqrt %add3A_11 : vector<1x128xf32>
    %get3A_12 = arith.constant 0 : index
    %get3A_13 = arith.constant 0 : index
    %get3A_14 = vector.load %arg1[%get3A_12, %get3A_13] : memref<5000x128xf32, #tpu.memory_space<vmem>>, vector<5000x128xf32>
    %sub3A_15 = vector.broadcast %div3A_3 : vector<1x128xf32> to vector<5000x128xf32>
    %sub3A_16 = arith.subf %get3A_14, %sub3A_15 : vector<5000x128xf32>
    %get3A_17 = arith.constant 0 : index
    %get3A_18 = arith.constant 0 : index
    %get3A_19 = vector.load %arg4[%get3A_17, %get3A_18] : memref<1x128xf32, #tpu.memory_space<vmem>>, vector<1x128xf32>
    %mul3A_20 = arith.mulf %rsqrt3A, %get3A_19 : vector<1x128xf32>
    %mul3A_21 = vector.broadcast %mul3A_20 : vector<1x128xf32> to vector<5000x128xf32>
    %mul3A_22 = arith.mulf %sub3A_16, %mul3A_21 : vector<5000x128xf32>
    %get3A_23 = arith.constant 0 : index
    %get3A_24 = arith.constant 0 : index
    %get3A_25 = vector.load %arg5[%get3A_23, %get3A_24] : memref<1x128xf32, #tpu.memory_space<vmem>>, vector<1x128xf32>
    %add3A_26 = vector.broadcast %get3A_25 : vector<1x128xf32> to vector<5000x128xf32>
    %add3A_27 = arith.addf %mul3A_22, %add3A_26 : vector<5000x128xf32>
    %slice3A = vector.extract_strided_slice %add3A_27 {offsets = [0, 0], sizes = [5000, 64], strides = [1, 1]} : vector<5000x128xf32> to vector<5000x64xf32>
    %swap3A = arith.constant 0 : index
    %swap3A_28 = arith.constant 0 : index
    %swap3A_29 = arith.constant 0 : index
    %swap3A_30 = vector.load %arg7[%swap3A, %swap3A_28, %swap3A_29] : memref<2x5000x64xf32, #tpu.memory_space<vmem>>, vector<1x5000x64xf32>
    %swap3A_31 = vector.shape_cast %swap3A_30 : vector<1x5000x64xf32> to vector<5000x64xf32>
    %swap3A_32 = vector.shape_cast %slice3A : vector<5000x64xf32> to vector<1x5000x64xf32>
    tpu.vector_store %arg7[%swap3A, %swap3A_28, %swap3A_29], %swap3A_32 {strides = array<i32>} : memref<2x5000x64xf32, #tpu.memory_space<vmem>>, vector<1x5000x64xf32>,
    %slice3A_33 = vector.extract_strided_slice %add3A_27 {offsets = [0, 64], sizes = [5000, 64], strides = [1, 1]} : vector<5000x128xf32> to vector<5000x64xf32>
    %swap3A_34 = arith.constant 1 : index
    %swap3A_35 = arith.constant 0 : index
    %swap3A_36 = arith.constant 0 : index
    %swap3A_37 = vector.load %arg7[%swap3A_34, %swap3A_35, %swap3A_36] : memref<2x5000x64xf32, #tpu.memory_space<vmem>>, vector<1x5000x64xf32>
    %swap3A_38 = vector.shape_cast %swap3A_37 : vector<1x5000x64xf32> to vector<5000x64xf32>
    %swap3A_39 = vector.shape_cast %slice3A_33 : vector<5000x64xf32> to vector<1x5000x64xf32>
    tpu.vector_store %arg7[%swap3A_34, %swap3A_35, %swap3A_36], %swap3A_39 {strides = array<i32>} : memref<2x5000x64xf32, #tpu.memory_space<vmem>>, vector<1x5000x64xf32>,
    %eq3A = arith.constant 0 : i32
    %eq3A_40 = arith.cmpi eq, %arg0, %eq3A : i32
    %convert_element_type3A = arith.extui %eq3A_40 : i1 to i32
    %cond3A = arith.constant 0 : i32
    %cond3A_41 = arith.cmpi ne, %convert_element_type3A, %cond3A : i32
    scf.if %cond3A_41 {
      %broadcast_in_dim3A = arith.constant 0.000000e+00 : f32
      %broadcast_in_dim3A_53 = vector.broadcast %broadcast_in_dim3A : f32 to vector<64x128xf32>
      %swap3A_54 = arith.constant 0 : index
      %swap3A_55 = arith.constant 0 : index
      %swap3A_56 = vector.load %arg8[%swap3A_54, %swap3A_55] : memref<64x128xf32, #tpu.memory_space<vmem>>, vector<64x128xf32>
      tpu.vector_store %arg8[%swap3A_54, %swap3A_55], %broadcast_in_dim3A_53 {strides = array<i32>} : memref<64x128xf32, #tpu.memory_space<vmem>>, vector<64x128xf32>,
    } else {
    }
    %get3A_42 = arith.constant 0 : index
    %get3A_43 = arith.constant 0 : index
    %get3A_44 = vector.load %arg8[%get3A_42, %get3A_43] : memref<64x128xf32, #tpu.memory_space<vmem>>, vector<64x128xf32>
    %get3A_45 = arith.constant 0 : index
    %get3A_46 = arith.constant 0 : index
    %get3A_47 = vector.load %arg6[%get3A_45, %get3A_46] : memref<5000x64xf32, #tpu.memory_space<vmem>>, vector<5000x64xf32>
    %dot_general3A = arith.constant dense<0.000000e+00> : vector<64x128xf32>
    %dot_general3A_48 = tpu.matmul %get3A_47, %add3A_27, %dot_general3A {dimension_numbers = #tpu.dot_dimension_numbers<[0], [0], [1], [1], [0, 1, 1, 1], [], []>, precision = #tpu.contract_precision<fp32>, transpose_lhs_hint = false} : vector<5000x64xf32>, vector<5000x128xf32>, vector<64x128xf32> -> vector<64x128xf32>
    %add3A_49 = arith.addf %get3A_44, %dot_general3A_48 : vector<64x128xf32>
    %swap3A_50 = arith.constant 0 : index
    %swap3A_51 = arith.constant 0 : index
    %swap3A_52 = vector.load %arg8[%swap3A_50, %swap3A_51] : memref<64x128xf32, #tpu.memory_space<vmem>>, vector<64x128xf32>
    tpu.vector_store %arg8[%swap3A_50, %swap3A_51], %add3A_49 {strides = array<i32>} : memref<64x128xf32, #tpu.memory_space<vmem>>, vector<64x128xf32>,
    return
  }
  func.func @transform_0(%arg0: i32) -> (i32, i32) {
    %c0_i32 = arith.constant 0 : i32
    %c0_i32_0 = arith.constant 0 : i32
    return %arg0, %c0_i32 : i32, i32
  }
  func.func @transform_1(%arg0: i32) -> (i32, i32) {
    %c0_i32 = arith.constant 0 : i32
    %c0_i32_0 = arith.constant 0 : i32
    %c0_i32_1 = arith.constant 0 : i32
    return %c0_i32, %c0_i32_0 : i32, i32
  }
  func.func @transform_2(%arg0: i32) -> (i32, i32) {
    %c0_i32 = arith.constant 0 : i32
    %c0_i32_0 = arith.constant 0 : i32
    %c0_i32_1 = arith.constant 0 : i32
    return %c0_i32, %c0_i32_0 : i32, i32
  }
  func.func @transform_3(%arg0: i32) -> (i32, i32) {
    %c0_i32 = arith.constant 0 : i32
    %c0_i32_0 = arith.constant 0 : i32
    %c0_i32_1 = arith.constant 0 : i32
    return %c0_i32, %c0_i32_0 : i32, i32
  }
  func.func @transform_4(%arg0: i32) -> (i32, i32) {
    %c0_i32 = arith.constant 0 : i32
    %c0_i32_0 = arith.constant 0 : i32
    %c0_i32_1 = arith.constant 0 : i32
    return %c0_i32, %c0_i32_0 : i32, i32
  }
  func.func @transform_5(%arg0: i32) -> (i32, i32) {
    %c0_i32 = arith.constant 0 : i32
    %c0_i32_0 = arith.constant 0 : i32
    return %arg0, %c0_i32 : i32, i32
  }
  func.func @transform_6(%arg0: i32) -> (i32, i32, i32) {
    %c0_i32 = arith.constant 0 : i32
    %c0_i32_0 = arith.constant 0 : i32
    %c0_i32_1 = arith.constant 0 : i32
    return %c0_i32, %arg0, %c0_i32_0 : i32, i32, i32
  }
  func.func @transform_7(%arg0: i32) -> (i32, i32) {
    %c0_i32 = arith.constant 0 : i32
    %c0_i32_0 = arith.constant 0 : i32
    %c0_i32_1 = arith.constant 0 : i32
    return %c0_i32, %c0_i32_0 : i32, i32
  }
}

</mosaic_0001>

<sc_bundles>
// kernel: closed_call.23.cloned.1.call-start
scs
__scs_entry_jumppad:
0x0: {  	(pc) =	sbr.rel $0x88, $3  }
0x1: {  	(tag) =	ssettag $0x0;
	lr =	simm.s32 $0x1  }
0x2: {  	[smem:$0x3F94] =	sst lr;
	_ =	strace $0xD0000000  }
0x3: {  	_ = 	snop  }
0x4: {  	_ = 	snop  }
0x5: {  	_ = 	snop  }
0x6: {  	_ = 	snop  }
0x7: {  	_ = 	snop  }
__scs_overlays_trampoline_lowered:
0x8: {  	[smem:$0x3FA3] =	sst s0  }
0x9: {  	[smem:$0x3FA4] =	sst s1  }
0xa: {  	[smem:$0x3FA5] =	sst s2  }
0xb: {  	[smem:$0x3FA6] =	sst s3  }
0xc: {  	[smem:$0x3FA7] =	sst s4  }
0xd: {  	[smem:$0x3FA8] =	sst s5  }
0xe: {  	[smem:$0x3FA9] =	sst s6  }
0xf: {  	[smem:$0x3FAA] =	sst s7  }
0x10: {  	[smem:$0x3FAB] =	sst s8  }
0x11: {  	[smem:$0x3FAC] =	sst s9;
	s0 =	simm.s32 @!p0 $0x0  }
0x12: {  	s1 =	sld [smem:$0x3F92];
	s0 =	simm.s32 @p0 $0x1  }
0x13: {  	[smem:$0x3FAD] =	sst s0;
	s0 =	simm.s32 @!p1 $0x0  }
0x14: {  	s2 =	sld [smem:$0x3F91];
	s0 =	simm.s32 @p1 $0x1  }
0x15: {  	[smem:$0x3FAE] =	sst s0;
	s0 =	simm.s32 @!p2 $0x0  }
0x16: {  	s3 =	sld [smem:$0x3FDB];
	s0 =	simm.s32 @p2 $0x1  }
0x17: {  	s4 =	simm.s32 $0x1BF5;
	[smem:$0x3FB0] =	sst s0  }
0x18: {  	s0 =	sld [smem:$0x3F93];
	_ =	swait.ge [sflag:s4], $0x0  }
0x19: {  	s7 =	sld [smem:$0x3F94]  }
0x1a: {  	s8 =	sadd.s32 $0xFFFFE003, lr  }
0x1b: {  	s9 =	sadd.s32 $0xFFFFFEF7, lr;
	s5 =	simm.s32 $0xFFFFFFFF;
	p2 =	slt.u32 s8, $0xFFFFF086  }
0x1c: {  	p1 =	slt.u32 s9, $0xF7A;
	s5 =	simm.s32 @!p2 $0x0  }
0x1d: {  	s5 =	simm.s32 @p1 $0x1;
	p0 =	seq.s32 s7, s2  }
0x1e: {  	s7 =	smul.u32 @!p0 $0xF7A, s2;
	p2 =	seq.s32 @!p0 s5, $0x0  }
0x1f: {  	s9 =	smul.u32 $0xF7A, s1;
	s8 =	simm.s32 @!p0 $0x1BF5;
	p2 =	por !p2, p0  }
0x20: {  	[sflag:s8] =	ssyncset.s32 @!p0 $0xFFFFF086;
	s6 =	sadd.s32 @!p0 s3, s7;
	s7 =	simm.s32 @!p0 $0x108  }
0x21: {  	s3 =	sadd.s32 s3, s9;
	s6 =	sadd.s32 @!p0 $0x88, s6;
	s7 =	simm.s32 @p2 $0x1082  }
0x22: {  	[simem:s7], [sflag:s8] =	dma.local @!p0 [hbm:s6], $0xF7A  }
0x23: {  	s9 =	sor.u32 $0xD0000000, s2;
	s6 =	simm.s32 $0x108;
	_ =	swait.ge @!p0 [sflag:s8], $0x0  }
0x24: {  	s3 =	sadd.s32 $0x88, s3;
	s6 =	simm.s32 @!p1 $0x1082;
	[sflag:s4] =	ssyncset.s32 $0xFFFFF086  }
0x25: {  	[simem:s6], [sflag:s4] =	dma.local [hbm:s3], $0xF7A  }
0x26: {  	[smem:$0x3F94] =	sst s1;
	(tag) =	ssettag s2;
	_ =	strace s9  }
0x27: {  	s1 =	sld [smem:$0x3FA4]  }
0x28: {  	s2 =	sld [smem:$0x3FA5]  }
0x29: {  	s4 =	sld [smem:$0x3FA7]  }
0x2a: {  	p0 =	seq.s32 s5, $0x0;
	s5 =	sld [smem:$0x3FA8]  }
0x2b: {  	s6 =	sld [smem:$0x3FA9]  }
0x2c: {  	s7 =	sld [smem:$0x3FAA]  }
0x2d: {  	s3 =	simm.s32 $0x108;
	s8 =	sld [smem:$0x3FAB]  }
0x2e: {  	s3 =	simm.s32 @!p0 $0x1082;
	s9 =	sld [smem:$0x3FAC]  }
0x2f: {  	lr =	sadd.s32 s0, s3;
	s0 =	sld [smem:$0x3FA3]  }
0x30: {  	s3 =	sld [smem:$0x3FA6]  }
0x31: {  	[smem:$0x3FAF] =	sst s10  }
0x32: {  	s10 =	sld [smem:$0x3FAD];
	_ =	sdelay $0x3  }
0x33: {  	p0 =	seq.s32 s10, $0x1;
	s10 =	sld [smem:$0x3FAF];
	_ =	sdelay $0x3  }
0x34: {  	[smem:$0x3FAF] =	sst s10  }
0x35: {  	s10 =	sld [smem:$0x3FAE];
	_ =	sdelay $0x3  }
0x36: {  	p1 =	seq.s32 s10, $0x1;
	s10 =	sld [smem:$0x3FAF];
	_ =	sdelay $0x3  }
0x37: {  	[smem:$0x3FAF] =	sst s10  }
0x38: {  	s10 =	sld [smem:$0x3FB0]  }
0x39: {  	_ = 	snop;
	(pc) =	sbr.ind lr, $3  }
0x3a: {  	_ = 	snop  }
0x3b: {  	_ = 	snop  }
0x3c: {  	p2 =	seq.s32 s10, $0x1;
	s10 =	sld [smem:$0x3FAF]  }
0x3d: {  	_ =	shalt  }
0x3e: {  	_ =	shalt  }
0x3f: {  	_ =	shalt  }
0x40: {  	_ =	shalt  }
0x41: {  	_ =	shalt  }
0x42: {  	_ =	shalt  }
0x43: {  	_ =	shalt  }
0x44: {  	_ =	shalt  }
0x45: {  	_ =	shalt  }
0x46: {  	_ =	shalt  }
0x47: {  	_ =	shalt  }
0x48: {  	_ =	shalt  }
0x49: {  	_ =	shalt  }
0x4a: {  	_ =	shalt  }
0x4b: {  	_ =	shalt  }
0x4c: {  	_ =	shalt  }
0x4d: {  	_ =	shalt  }
0x4e: {  	_ =	shalt  }
0x4f: {  	_ =	shalt  }
0x50: {  	_ =	shalt  }
0x51: {  	_ =	shalt  }
0x52: {  	_ =	shalt  }
0x53: {  	_ =	shalt  }
0x54: {  	_ =	shalt  }
0x55: {  	_ =	shalt  }
0x56: {  	_ =	shalt  }
0x57: {  	_ =	shalt  }
0x58: {  	_ =	shalt  }
0x59: {  	_ =	shalt  }
0x5a: {  	_ =	shalt  }
0x5b: {  	_ =	shalt  }
0x5c: {  	_ =	shalt  }
0x5d: {  	_ =	shalt  }
0x5e: {  	_ =	shalt  }
0x5f: {  	_ =	shalt  }
0x60: {  	_ =	shalt  }
0x61: {  	_ =	shalt  }
0x62: {  	_ =	shalt  }
0x63: {  	_ =	shalt  }
0x64: {  	_ =	shalt  }
0x65: {  	_ =	shalt  }
0x66: {  	_ =	shalt  }
0x67: {  	_ =	shalt  }
0x68: {  	_ =	shalt  }
0x69: {  	_ =	shalt  }
0x6a: {  	_ =	shalt  }
0x6b: {  	_ =	shalt  }
0x6c: {  	_ =	shalt  }
0x6d: {  	_ =	shalt  }
0x6e: {  	_ =	shalt  }
0x6f: {  	_ =	shalt  }
0x70: {  	_ =	shalt  }
0x71: {  	_ =	shalt  }
0x72: {  	_ =	shalt  }
0x73: {  	_ =	shalt  }
0x74: {  	_ =	shalt  }
0x75: {  	_ =	shalt  }
0x76: {  	_ =	shalt  }
0x77: {  	_ =	shalt  }
0x78: {  	_ =	shalt  }
0x79: {  	_ =	shalt  }
0x7a: {  	_ =	shalt  }
0x7b: {  	_ =	shalt  }
0x7c: {  	_ =	shalt  }
0x7d: {  	_ =	shalt  }
0x7e: {  	_ =	shalt  }
0x7f: {  	_ =	shalt  }
0x80: {  	_ =	shalt  }
0x81: {  	_ =	shalt  }
0x82: {  	_ =	shalt  }
0x83: {  	_ =	shalt  }
0x84: {  	_ =	shalt  }
0x85: {  	_ =	shalt  }
0x86: {  	_ =	shalt  }
0x87: {  	_ =	shalt  }
.Lfunc_end0:
.L_simem_size_0:
called_computation_lowered:
.L_overlay_start_0:
0x88: {  	s2 =	sld [smem:$0x3FD9]  }
0x89: {  	s3 =	sld [smem:$0x3FFE];
	_ =	sdelay $0x1  }
0x8a: {  	s1 =	srdreg.scid  }
0x8b: {  	s0 =	sand.u32 $0x1, s1  }
0x8c: {  	s14 =	sshll.u32 s0, $0xA;
	s2 =	sadd.s32 s3, s2  }
0x8d: {  	s2 =	sadd.s32 s2, s14  }
0x8e: {  	[smem:$0x3FBB] =	sst s2  }
0x8f: {  	_ = 	snop  }
0x90: {  	s2 =	sld [smem:$0x3FD0];
	_ =	sdelay $0x2  }
0x91: {  	s15 =	simm.s32 $0xA;
	s4 =	simm.s32 $0x10  }
0x92: {  	[smem:s4], [sflag:s15] =	dma.local [hbm:s2], $0x1  }
0x93: {  	_ =	swait.eq [sflag:s15], $0x1  }
0x94: {  	[sflag:s15] =	ssyncset.done $0x0  }
0x95: {  	[sflag:s15] =	ssyncadd.s32 $0xFFFFFFFF  }
0x96: {  	s16 =	sld [smem:$0x10];
	(tm) =	ssettm $0x1  }
0x97: {  	s17 =	sld [smem:$0x3FFB];
	_ =	sdelay $0x3  }
0x98: {  	_ =	strace s17  }
0x99: {  	s3 =	sld [smem:$0x3FFC];
	_ =	sdelay $0x3  }
0x9a: {  	_ =	strace s3  }
0x9b: {  	s3 =	sld [smem:$0x3FFD];
	_ =	sdelay $0x3  }
0x9c: {  	_ =	strace s3  }
0x9d: {  	_ =	strace $0x8FFFFFFF  }
0x9e: {  	s18 =	sld [smem:$0x3FDB];
	_ =	sdelay $0x1  }
0x9f: {  	s19 =	simm.s32 $_scs_section_size  }
0xa0: {  	s5 =	simm.s32 $_size__tile_overlayer_lowered;
	s6 =	simm.s32 $_tile_overlayer_lowered  }
0xa1: {  	s22 =	simm.s32 $0x1BFF;
	s21 =	sshll.u32 s6, $0x1;
	s3 =	sadd.s32 s19, s18  }
0xa2: {  	s7 =	simm.s32 $0x0;
	s20 =	sshll.u32 s5, $0x1;
	s5 =	sadd.s32 s21, s3  }
0xa3: {  	[timem:s7], [sflag:s22] =	dma.local [hbm:s5], s20  }
0xa4: {  	_ =	swait.ge [sflag:s22], s20  }
0xa5: {  	s4 =	ssub.s32 $0x0, s20;
	[sflag:s22] =	ssyncset.done $0x0  }
0xa6: {  	[sflag:s22] =	ssyncadd.s32 s4;
	_ =	sdelay $0x1  }
0xa7: {  	s23 =	simm.s32 $0x1B8B  }
0xa8: {  	_ =	swait.ge [sflag:s23], $0x1  }
0xa9: {  	[sflag:s23] =	ssyncset.done $0x0  }
0xaa: {  	s25 =	simm.s32 $0x1B8E;
	s24 =	sld [smem:$0x3FFE];
	[sflag:s23] =	ssyncadd.s32 $0xFFFFFFFF  }
0xab: {  	s26 =	simm.s32 $execute0_lowered;
	[smem:$0x3FD2] =	sst s25  }
0xac: {  	s5 =	sshll.u32 s26, $0x1;
	_ =	strace $0x80000046;
	[dreg:$0x1] =	wrdreg $0xFFFFFFFF  }
0xad: {  	s28 =	simm.s32 $_size_execute0_lowered;
	s3 =	sadd.s32 s3, s5;
	[dreg:$0x0] =	wrdreg $0x0  }
0xae: {  	s5 =	sshll.u32 s28, $0x1;
	[dreg:$0x2] =	wrdreg s3  }
0xaf: {  	[dreg:$0x3] =	wrdreg s5  }
0xb0: {  	[dreg:$0x4] =	wrdreg $0xC0  }
0xb1: {  	_ =	task [dreg:s7], $0x5FFFF  }
0xb2: {  	[dreg:$0x1] =	wrdreg $0xFFFFFFFF  }
0xb3: {  	[dreg:$0x0] =	wrdreg $0x60  }
0xb4: {  	[dreg:$0x2] =	wrdreg s24  }
0xb5: {  	[dreg:$0x3] =	wrdreg s16  }
0xb6: {  	[dreg:$0x4] =	wrdreg $0x120000  }
0xb7: {  	[dreg:$0x5] =	wrdreg $0x9  }
0xb8: {  	_ =	task.clear_ibuf [dreg:s7], $0x6FFFF;
	_ =	strace $0x90000046  }
0xb9: {  	s29 =	simm.s32 $0x9;
	_ =	strace $0x80000048  }
0xba: {  	_ =	swait.ge [sflag:s29], $0x1  }
0xbb: {  	[sflag:s29] =	ssyncadd.s32 $0xFFFFFFFF  }
0xbc: {  	_ =	strace $0x90000048  }
0xbd: {  	_ =	sfence  }
0xbe: {  	s30 =	sld [smem:$0x0];
	_ =	sdelay $0x2  }
0xbf: {  	s31 =	sshll.u32 s1, $0xD;
	s1 =	sshrl.u32 s1, $0x2  }
0xc0: {  	s3 =	sand.u32 $0x4000, s31;
	s1 =	sadd.s32 s1, s30  }
0xc1: {  	s0 =	sor.u32 s3, s0;
	s1 =	sshll.u32 s1, $0x11  }
0xc2: {  	s0 =	sor.u32 s1, s0  }
0xc3: {  	s0 =	sadd.s32 $0x8F2B, s0  }
0xc4: {  	[sflag:s0] =	ssyncadd.remote.s32 $0x1  }
0xc5: {  	_ =	sfence.sel $0xFFFF  }
0xc6: {  	[dreg:$0x0] =	wrdreg $0xFFFFFFFF;
	(pc) =	sbr.abs _section_cstart, $3  }
0xc7: {  	[dreg:$0x1] =	wrdreg $0xFFFFFFFF  }
0xc8: {  	_ =	task.clear_ibuf [dreg:s7], $0x2FFFF;
	_ =	strace $0x9FFFFFFF  }
0xc9: {  	(tm) =	ssettm $0x7FFFFFFF  }
tec
execute0_lowered:
.L_overlay_start_1:
0x0: {  	(tag) =	ssettag $0x1  }
0x1: {  	s0 =	rddreg [dreg:$0x0];
	s1 =	srdreg.scid  }
0x2: {  	s9 =	stileid.u32;
	s5 =	rddreg [dreg:$0x1]  }
0x3: {  	s2 =	rddreg [dreg:$0x2];
	s3 =	simm.s32 $0x0;
	s18 =	simm.s32 $0x9  }
0x4: {  	s20 =	simm.s32 $0xA000;
	s21 =	simm.s32 $0x80;
	s28 =	simm.s32 $0x1  }
0x5: {  	s29 =	simm.s32 $0x5;
	s30 =	simm.s32 $0x2;
	s6 =	smul.u32 $0x5000, s9  }
0x6: {  	s31 =	simm.s32 $0x6;
	s1 =	sand.u32 $0x1, s1;
	s11 =	smul.u32 $0xA000, s9  }
0x7: {  	s19 =	simm.s32 $0x4;
	[smem:$0x7FF] =	sst s3;
	s4 =	smul.u32 $0x50000, s1  }
0x8: {  	_ =	strace $0x80000047;
	s8 =	ssub.s32 $0x2, s1;
	s1 =	smul.u32 $0xA0000, s1  }
0x9: {  	s22 =	sshrl.u32 s8, $0x1;
	s23 =	sadd.s32 $0x2000, s11;
	s14 =	sadd.s32 $0x4000, s11  }
0xa: {  	s15 =	sadd.s32 $0x6000, s11;
	s16 =	sadd.s32 $0x8000, s11;
	s7 =	sadd.s32 s6, s4  }
0xb: {  	s4 =	sadd.s32 $0xBC400, s0;
	s6 =	sshrl.u32 s6, $0x3;
	s9 =	sadd.s32 s14, s2  }
0xc: {  	s10 =	sadd.s32 s15, s2;
	s12 =	sadd.s32 s11, s1;
	s24 =	sadd.s32 s1, s14  }
0xd: {  	s25 =	sadd.s32 s1, s15;
	s7 =	sshrl.u32 s7, $0x3;
	s12 =	sshrl.u32 s12, $0x3  }
0xe: {  	s15 =	sshrl.u32 s25, $0x3;
	s25 =	simm.s32 $0x0;
	s7 =	sadd.s32 s7, s0  }
0xf: {  	s0 =	sadd.s32 s6, s0;
	s6 =	ssub.s32 s8, s22;
	s12 =	sadd.s32 s5, s12  }
0x10: {  	s8 =	sadd.s32 s23, s2;
	s7 =	sadd.s32 $0x9E400, s7;
	[dreg:$0x6] =	wrdreg s12  }
0x11: {  	s15 =	sadd.s32 s5, s15;
	s0 =	sadd.s32 $0xB2400, s0;
	[dreg:$0x4] =	wrdreg s7  }
0x12: {  	s22 =	simm.s32 $0xC000;
	s17 =	smax.u32 s6, $0x1;
	[dreg:$0x5] =	wrdreg s0  }
0x13: {  	s7 =	sadd.s32 s11, s2;
	s0 =	sadd.s32 s1, s23;
	s11 =	sadd.s32 s16, s2  }
0x14: {  	s1 =	sadd.s32 s1, s16;
	s23 =	simm.s32 $0x8;
	s0 =	sshrl.u32 s0, $0x3  }
0x15: {  	s26 =	sshrl.u32 s1, $0x3;
	s1 =	simm.s32 $0x3;
	s13 =	sadd.s32 s5, s0  }
0x16: {  	s0 =	sshrl.u32 s24, $0x3;
	s16 =	sadd.s32 s5, s26;
	s24 =	simm.s32 $0xE000  }
0x17: {  	v0 =	vimm.f32 $0.0e+00;
	s26 =	simm.s32 $0x10000;
	s14 =	sadd.s32 s5, s0;
	s0 =	simm.s32 $0x7  }
.LBB2_1:
0x18: {  	s5 =	rddreg [dreg:$0x4]  }
0x19: {  	[tilespmem:s3], [sflag:$0x9] =	stream.linear.gather [hbm4b:s5+s3], $0x5000, $0x38;
	[tilespmem:$0x1C000] =	vst v63  }
0x1a: {  	_ =	swait.ge [sflag:s18], $0x5000  }
0x1b: {  	[sflag:s18] =	ssyncset.done $0x0  }
0x1c: {  	s6 =	simm.s32 $0x5000;
	s12 =	rddreg [dreg:$0x5];
	[sflag:s18] =	ssyncadd.s32 $0xFFFFB000  }
0x1d: {  	[tilespmem:s6], [sflag:$0x9] =	stream.linear.gather [hbm4b:s12+s3], $0x5000, $0x38;
	[tilespmem:$0x1C000] =	vst v63  }
0x1e: {  	_ =	swait.ge [sflag:s18], $0x5000  }
0x1f: {  	[sflag:s18] =	ssyncset.done $0x0  }
0x20: {  	s5 =	simm.s32 $0x0;
	s6 =	simm.s32 $0x100;
	[sflag:s18] =	ssyncadd.s32 $0xFFFFB000  }
.LBB2_2:
0x21: {  	p0 =	sne.s32 s6, $0x7F00;
	[tilespmem:s5+$0xA030] =	vst v0;
	s12 =	smov.u32 s6;
	s6 =	sadd.s32 $0x100, s6  }
.Ltmp0:
0x22: {  	[tilespmem:s5+$0xA020] =	vst v0;
	(pc) =	sbr.rel @p0 .LBB2_2-.Ltmp0, $3  }
0x23: {  	[tilespmem:s5+$0xA000] =	vst v0  }
0x24: {  	[tilespmem:s5+$0xA010] =	vst v0;
	_ =	sdelay $0x1  }
0x25: {  	s5 =	sshra.s32 s12, $0x2  }
0x26: {  	[tilespmem:s5+$0xA030] =	vst v0  }
0x27: {  	[tilespmem:s5+$0xA020] =	vst v0  }
0x28: {  	[tilespmem:s5+$0xA000] =	vst v0  }
0x29: {  	[tilespmem:s5+$0xA010] =	vst v0  }
0x2a: {  	[spmem:s7] =	stream.linear.scatter [tilespmem:s20], [sflag:$0x9], $0x2000, $0x38;
	[tilespmem:$0x1C000] =	vst v63  }
0x2b: {  	_ =	swait.ge [sflag:s18], $0x2000  }
0x2c: {  	[sflag:s18] =	ssyncset.done $0x0  }
0x2d: {  	[sflag:s18] =	ssyncadd.s32 $0xFFFFE000  }
0x2e: {  	[spmem:s8] =	stream.linear.scatter [tilespmem:s20], [sflag:$0x9], $0x2000, $0x38;
	[tilespmem:$0x1C000] =	vst v63  }
0x2f: {  	_ =	swait.ge [sflag:s18], $0x2000  }
0x30: {  	[sflag:s18] =	ssyncset.done $0x0  }
0x31: {  	[sflag:s18] =	ssyncadd.s32 $0xFFFFE000  }
0x32: {  	[spmem:s9] =	stream.linear.scatter [tilespmem:s20], [sflag:$0x9], $0x2000, $0x38;
	[tilespmem:$0x1C000] =	vst v63  }
0x33: {  	_ =	swait.ge [sflag:s18], $0x2000  }
0x34: {  	[sflag:s18] =	ssyncset.done $0x0  }
0x35: {  	[sflag:s18] =	ssyncadd.s32 $0xFFFFE000  }
0x36: {  	[spmem:s10] =	stream.linear.scatter [tilespmem:s20], [sflag:$0x9], $0x2000, $0x38;
	[tilespmem:$0x1C000] =	vst v63  }
0x37: {  	_ =	swait.ge [sflag:s18], $0x2000  }
0x38: {  	[sflag:s18] =	ssyncset.done $0x0  }
0x39: {  	[sflag:s18] =	ssyncadd.s32 $0xFFFFE000  }
0x3a: {  	[spmem:s11] =	stream.linear.scatter [tilespmem:s20], [sflag:$0x9], $0x2000, $0x38;
	[tilespmem:$0x1C000] =	vst v63  }
0x3b: {  	_ =	swait.ge [sflag:s18], $0x2000  }
0x3c: {  	[sflag:s18] =	ssyncset.done $0x0  }
0x3d: {  	[sflag:s18] =	ssyncadd.s32 $0xFFFFE000  }
0x3e: {  	s6 =	simm.s32 $0x0;
	[bflag:$0x0] =	sbarrier.arrive $0xFFFF  }
0x3f: {  	[tilespmem:s20], [sflag:$0x1] =	stream.indirect.gather [hbm4b:s4+s21], $0x40, s6, s21, $0xb8;
	[tilespmem:$0x1C000] =	vst v63  }
0x40: {  	_ = 	snop  }
0x41: {  	[tilespmem:s22], [sflag:$0x2] =	stream.indirect.gather [hbm4b:s4+s21], $0x40, s21, s21, $0xb8;
	[tilespmem:$0x1C000] =	vst v63  }
0x42: {  	s12 =	simm.s32 $0x100  }
0x43: {  	[tilespmem:s24], [sflag:$0x3] =	stream.indirect.gather [hbm4b:s4+s21], $0x40, s12, s21, $0xb8;
	[tilespmem:$0x1C000] =	vst v63  }
0x44: {  	s6 =	simm.s32 $0x180  }
0x45: {  	[tilespmem:s26], [sflag:$0x4] =	stream.indirect.gather [hbm4b:s4+s21], $0x40, s6, s21, $0xb8;
	[tilespmem:$0x1C000] =	vst v63  }
0x46: {  	_ =	swait.ge [sflag:s28], $0x2000  }
0x47: {  	[sflag:s28] =	ssyncset.done $0x0  }
0x48: {  	s12 =	simm.s32 $0x5000;
	[sflag:s28] =	ssyncadd.s32 $0xFFFFE000  }
0x49: {  	[spmem:s2] =	stream.indirect.scatter.add.f32 [tilespmem:s20], [sflag:$0x5], $0x40, s12, s21, $0xb8;
	[tilespmem:$0x1C000] =	vst v63  }
0x4a: {  	_ =	swait.ge [sflag:s29], $0x2000  }
0x4b: {  	[sflag:s29] =	ssyncset.done $0x0  }
0x4c: {  	s6 =	simm.s32 $0x200;
	[sflag:s29] =	ssyncadd.s32 $0xFFFFE000  }
0x4d: {  	[tilespmem:s20], [sflag:$0x1] =	stream.indirect.gather [hbm4b:s4+s21], $0x40, s6, s21, $0xb8;
	[tilespmem:$0x1C000] =	vst v63  }
0x4e: {  	_ =	swait.ge [sflag:s30], $0x2000  }
0x4f: {  	[sflag:s30] =	ssyncset.done $0x0  }
0x50: {  	s12 =	simm.s32 $0x5080;
	[sflag:s30] =	ssyncadd.s32 $0xFFFFE000  }
0x51: {  	[spmem:s2] =	stream.indirect.scatter.add.f32 [tilespmem:s22], [sflag:$0x6], $0x40, s12, s21, $0xb8;
	[tilespmem:$0x1C000] =	vst v63  }
0x52: {  	_ =	swait.ge [sflag:s31], $0x2000  }
0x53: {  	[sflag:s31] =	ssyncset.done $0x0  }
0x54: {  	s6 =	simm.s32 $0x280;
	[sflag:s31] =	ssyncadd.s32 $0xFFFFE000  }
0x55: {  	[tilespmem:s22], [sflag:$0x2] =	stream.indirect.gather [hbm4b:s4+s21], $0x40, s6, s21, $0xb8;
	[tilespmem:$0x1C000] =	vst v63  }
0x56: {  	_ =	swait.ge [sflag:s1], $0x2000  }
0x57: {  	[sflag:s1] =	ssyncset.done $0x0  }
0x58: {  	s12 =	simm.s32 $0x5100;
	[sflag:s1] =	ssyncadd.s32 $0xFFFFE000  }
0x59: {  	[spmem:s2] =	stream.indirect.scatter.add.f32 [tilespmem:s24], [sflag:$0x7], $0x40, s12, s21, $0xb8;
	[tilespmem:$0x1C000] =	vst v63  }
0x5a: {  	_ =	swait.ge [sflag:s0], $0x2000  }
0x5b: {  	[sflag:s0] =	ssyncset.done $0x0  }
0x5c: {  	s6 =	simm.s32 $0x300;
	[sflag:s0] =	ssyncadd.s32 $0xFFFFE000  }
0x5d: {  	[tilespmem:s24], [sflag:$0x3] =	stream.indirect.gather [hbm4b:s4+s21], $0x40, s6, s21, $0xb8;
	[tilespmem:$0x1C000] =	vst v63  }
0x5e: {  	_ =	swait.ge [sflag:s19], $0x2000  }
0x5f: {  	[sflag:s19] =	ssyncset.done $0x0  }
0x60: {  	s12 =	simm.s32 $0x5180;
	[sflag:s19] =	ssyncadd.s32 $0xFFFFE000  }
0x61: {  	[spmem:s2] =	stream.indirect.scatter.add.f32 [tilespmem:s26], [sflag:$0x8], $0x40, s12, s21, $0xb8;
	[tilespmem:$0x1C000] =	vst v63  }
0x62: {  	_ =	swait.ge [sflag:s23], $0x2000  }
0x63: {  	[sflag:s23] =	ssyncset.done $0x0  }
0x64: {  	s5 =	simm.s32 $0x800;
	s6 =	simm.s32 $0x380;
	[sflag:s23] =	ssyncadd.s32 $0xFFFFE000  }
.LBB2_4:
0x65: {  	[tilespmem:s26], [sflag:$0x4] =	stream.indirect.gather [hbm4b:s4+s21], $0x40, s6, s21, $0xb8;
	[tilespmem:$0x1C000] =	vst v63  }
0x66: {  	s6 =	smov.u32 s5  }
0x67: {  	p0 =	sne.s32 s5, $0x13000;
	s5 =	sadd.s32 $0x800, s5;
	_ =	swait.ge [sflag:s28], $0x2000  }
0x68: {  	s6 =	sshra.s32 s6, $0x2;
	[sflag:s28] =	ssyncset.done $0x0  }
0x69: {  	s12 =	sadd.s32 $0x5000, s6;
	[sflag:s28] =	ssyncadd.s32 $0xFFFFE000  }
0x6a: {  	[spmem:s2] =	stream.indirect.scatter.add.f32 [tilespmem:s20], [sflag:$0x5], $0x40, s12, s21, $0xb8;
	[tilespmem:$0x1C000] =	vst v63  }
0x6b: {  	_ =	swait.ge [sflag:s29], $0x2000  }
0x6c: {  	[sflag:s29] =	ssyncset.done $0x0  }
0x6d: {  	s12 =	sadd.s32 $0x200, s6;
	[sflag:s29] =	ssyncadd.s32 $0xFFFFE000  }
0x6e: {  	[tilespmem:s20], [sflag:$0x1] =	stream.indirect.gather [hbm4b:s4+s21], $0x40, s12, s21, $0xb8;
	[tilespmem:$0x1C000] =	vst v63  }
0x6f: {  	_ =	swait.ge [sflag:s30], $0x2000  }
0x70: {  	[sflag:s30] =	ssyncset.done $0x0  }
0x71: {  	s12 =	sadd.s32 $0x5080, s6;
	[sflag:s30] =	ssyncadd.s32 $0xFFFFE000  }
0x72: {  	[spmem:s2] =	stream.indirect.scatter.add.f32 [tilespmem:s22], [sflag:$0x6], $0x40, s12, s21, $0xb8;
	[tilespmem:$0x1C000] =	vst v63  }
0x73: {  	_ =	swait.ge [sflag:s31], $0x2000  }
0x74: {  	[sflag:s31] =	ssyncset.done $0x0  }
0x75: {  	s12 =	sadd.s32 $0x280, s6;
	[sflag:s31] =	ssyncadd.s32 $0xFFFFE000  }
0x76: {  	[tilespmem:s22], [sflag:$0x2] =	stream.indirect.gather [hbm4b:s4+s21], $0x40, s12, s21, $0xb8;
	[tilespmem:$0x1C000] =	vst v63  }
0x77: {  	_ =	swait.ge [sflag:s1], $0x2000  }
0x78: {  	[sflag:s1] =	ssyncset.done $0x0  }
0x79: {  	s12 =	sadd.s32 $0x5100, s6;
	[sflag:s1] =	ssyncadd.s32 $0xFFFFE000  }
0x7a: {  	[spmem:s2] =	stream.indirect.scatter.add.f32 [tilespmem:s24], [sflag:$0x7], $0x40, s12, s21, $0xb8;
	[tilespmem:$0x1C000] =	vst v63  }
0x7b: {  	_ =	swait.ge [sflag:s0], $0x2000  }
0x7c: {  	[sflag:s0] =	ssyncset.done $0x0  }
0x7d: {  	s12 =	sadd.s32 $0x300, s6;
	[sflag:s0] =	ssyncadd.s32 $0xFFFFE000  }
0x7e: {  	[tilespmem:s24], [sflag:$0x3] =	stream.indirect.gather [hbm4b:s4+s21], $0x40, s12, s21, $0xb8;
	[tilespmem:$0x1C000] =	vst v63  }
0x7f: {  	_ =	swait.ge [sflag:s19], $0x2000  }
0x80: {  	[sflag:s19] =	ssyncset.done $0x0  }
.Ltmp1:
0x81: {  	s12 =	sadd.s32 $0x5180, s6;
	[sflag:s19] =	ssyncadd.s32 $0xFFFFE000;
	(pc) =	sbr.rel @p0 .LBB2_4-.Ltmp1, $4  }
0x82: {  	[spmem:s2] =	stream.indirect.scatter.add.f32 [tilespmem:s26], [sflag:$0x8], $0x40, s12, s21, $0xb8;
	[tilespmem:$0x1C000] =	vst v63  }
0x83: {  	_ =	swait.ge [sflag:s23], $0x2000  }
0x84: {  	[sflag:s23] =	ssyncset.done $0x0  }
0x85: {  	s6 =	sadd.s32 $0x380, s6;
	[sflag:s23] =	ssyncadd.s32 $0xFFFFE000  }
0x86: {  	[tilespmem:s26], [sflag:$0x4] =	stream.indirect.gather [hbm4b:s4+s21], $0x40, s6, s21, $0xb8;
	[tilespmem:$0x1C000] =	vst v63  }
0x87: {  	_ =	swait.ge [sflag:s28], $0x2000  }
0x88: {  	[sflag:s28] =	ssyncset.done $0x0  }
0x89: {  	s5 =	simm.s32 $0x9E00;
	[sflag:s28] =	ssyncadd.s32 $0xFFFFE000  }
0x8a: {  	[spmem:s2] =	stream.indirect.scatter.add.f32 [tilespmem:s20], [sflag:$0x5], $0x40, s5, s21, $0xb8;
	[tilespmem:$0x1C000] =	vst v63  }
0x8b: {  	_ =	swait.ge [sflag:s29], $0x2000  }
0x8c: {  	[sflag:s29] =	ssyncset.done $0x0  }
0x8d: {  	[sflag:s29] =	ssyncadd.s32 $0xFFFFE000  }
0x8e: {  	_ =	swait.ge [sflag:s30], $0x2000  }
0x8f: {  	[sflag:s30] =	ssyncset.done $0x0  }
0x90: {  	s6 =	simm.s32 $0x9E80;
	[sflag:s30] =	ssyncadd.s32 $0xFFFFE000  }
0x91: {  	[spmem:s2] =	stream.indirect.scatter.add.f32 [tilespmem:s22], [sflag:$0x6], $0x40, s6, s21, $0xb8;
	[tilespmem:$0x1C000] =	vst v63  }
0x92: {  	_ =	swait.ge [sflag:s31], $0x2000  }
0x93: {  	[sflag:s31] =	ssyncset.done $0x0  }
0x94: {  	[sflag:s31] =	ssyncadd.s32 $0xFFFFE000  }
0x95: {  	_ =	swait.ge [sflag:s1], $0x2000  }
0x96: {  	[sflag:s1] =	ssyncset.done $0x0  }
0x97: {  	s12 =	simm.s32 $0x9F00;
	[sflag:s1] =	ssyncadd.s32 $0xFFFFE000  }
0x98: {  	[spmem:s2] =	stream.indirect.scatter.add.f32 [tilespmem:s24], [sflag:$0x7], $0x40, s12, s21, $0xb8;
	[tilespmem:$0x1C000] =	vst v63  }
0x99: {  	_ =	swait.ge [sflag:s0], $0x2000  }
0x9a: {  	[sflag:s0] =	ssyncset.done $0x0  }
0x9b: {  	[sflag:s0] =	ssyncadd.s32 $0xFFFFE000  }
0x9c: {  	_ =	swait.ge [sflag:s19], $0x2000  }
0x9d: {  	[sflag:s19] =	ssyncset.done $0x0  }
0x9e: {  	s6 =	simm.s32 $0x9F80;
	[sflag:s19] =	ssyncadd.s32 $0xFFFFE000  }
0x9f: {  	[spmem:s2] =	stream.indirect.scatter.add.f32 [tilespmem:s26], [sflag:$0x8], $0x40, s6, s21, $0xb8;
	[tilespmem:$0x1C000] =	vst v63  }
0xa0: {  	_ =	swait.ge [sflag:s23], $0x2000  }
0xa1: {  	[sflag:s23] =	ssyncset.done $0x0  }
0xa2: {  	[sflag:s23] =	ssyncadd.s32 $0xFFFFE000  }
0xa3: {  	[bflag:$0x0] =	sbarrier.arrive $0xFFFF  }
0xa4: {  	[tilespmem:s20], [sflag:$0x9] =	stream.linear.gather [spmem:s7], $0x2000, $0x38;
	[tilespmem:$0x1C000] =	vst v63  }
0xa5: {  	_ =	swait.ge [sflag:s18], $0x2000  }
0xa6: {  	[sflag:s18] =	ssyncset.done $0x0  }
0xa7: {  	s12 =	rddreg [dreg:$0x6];
	[sflag:s18] =	ssyncadd.s32 $0xFFFFE000  }
0xa8: {  	[hbm4b:s12+s3] =	stream.linear.scatter [tilespmem:s20], [sflag:$0x9], $0x2000, $0x38;
	[tilespmem:$0x1C000] =	vst v63  }
0xa9: {  	_ =	swait.ge [sflag:s18], $0x2000  }
0xaa: {  	[sflag:s18] =	ssyncset.done $0x0  }
0xab: {  	[sflag:s18] =	ssyncadd.s32 $0xFFFFE000  }
0xac: {  	[tilespmem:s20], [sflag:$0x9] =	stream.linear.gather [spmem:s8], $0x2000, $0x38;
	[tilespmem:$0x1C000] =	vst v63  }
0xad: {  	_ =	swait.ge [sflag:s18], $0x2000  }
0xae: {  	[sflag:s18] =	ssyncset.done $0x0  }
0xaf: {  	[sflag:s18] =	ssyncadd.s32 $0xFFFFE000  }
0xb0: {  	[hbm4b:s13+s3] =	stream.linear.scatter [tilespmem:s20], [sflag:$0x9], $0x2000, $0x38;
	[tilespmem:$0x1C000] =	vst v63  }
0xb1: {  	_ =	swait.ge [sflag:s18], $0x2000  }
0xb2: {  	[sflag:s18] =	ssyncset.done $0x0  }
0xb3: {  	[sflag:s18] =	ssyncadd.s32 $0xFFFFE000  }
0xb4: {  	[tilespmem:s20], [sflag:$0x9] =	stream.linear.gather [spmem:s9], $0x2000, $0x38;
	[tilespmem:$0x1C000] =	vst v63  }
0xb5: {  	_ =	swait.ge [sflag:s18], $0x2000  }
0xb6: {  	[sflag:s18] =	ssyncset.done $0x0  }
0xb7: {  	[sflag:s18] =	ssyncadd.s32 $0xFFFFE000  }
0xb8: {  	[hbm4b:s14+s3] =	stream.linear.scatter [tilespmem:s20], [sflag:$0x9], $0x2000, $0x38;
	[tilespmem:$0x1C000] =	vst v63  }
0xb9: {  	_ =	swait.ge [sflag:s18], $0x2000  }
0xba: {  	[sflag:s18] =	ssyncset.done $0x0  }
0xbb: {  	[sflag:s18] =	ssyncadd.s32 $0xFFFFE000  }
0xbc: {  	[tilespmem:s20], [sflag:$0x9] =	stream.linear.gather [spmem:s10], $0x2000, $0x38;
	[tilespmem:$0x1C000] =	vst v63  }
0xbd: {  	_ =	swait.ge [sflag:s18], $0x2000  }
0xbe: {  	[sflag:s18] =	ssyncset.done $0x0  }
0xbf: {  	[sflag:s18] =	ssyncadd.s32 $0xFFFFE000  }
0xc0: {  	[hbm4b:s15+s3] =	stream.linear.scatter [tilespmem:s20], [sflag:$0x9], $0x2000, $0x38;
	[tilespmem:$0x1C000] =	vst v63  }
0xc1: {  	_ =	swait.ge [sflag:s18], $0x2000  }
0xc2: {  	[sflag:s18] =	ssyncset.done $0x0  }
0xc3: {  	[sflag:s18] =	ssyncadd.s32 $0xFFFFE000  }
0xc4: {  	[tilespmem:s20], [sflag:$0x9] =	stream.linear.gather [spmem:s11], $0x2000, $0x38;
	[tilespmem:$0x1C000] =	vst v63  }
0xc5: {  	s25 =	sadd.s32 $0x1, s25;
	_ =	swait.ge [sflag:s18], $0x2000  }
0xc6: {  	p0 =	sne.s32 s25, s17;
	[sflag:s18] =	ssyncset.done $0x0  }
.Ltmp2:
0xc7: {  	[sflag:s18] =	ssyncadd.s32 $0xFFFFE000;
	(pc) =	sbr.rel @p0 .LBB2_1-.Ltmp2, $4  }
0xc8: {  	[hbm4b:s16+s3] =	stream.linear.scatter [tilespmem:s20], [sflag:$0x9], $0x2000, $0x38;
	[tilespmem:$0x1C000] =	vst v63  }
0xc9: {  	_ =	swait.ge [sflag:s18], $0x2000  }
0xca: {  	[sflag:s18] =	ssyncset.done $0x0  }
0xcb: {  	[sflag:s18] =	ssyncadd.s32 $0xFFFFE000  }
0xcc: {  	_ =	sfence.sel $0x180000  }
0xcd: {  	[bflag:$0x0] =	sbarrier.arrive $0xFFFF  }
0xce: {  	_ =	strace $0x90000047  }
0xcf: {  	s0 =	stileid.u32;
	[bflag:$0x2] =	sbarrier.arrive $0xFFFF  }
0xd0: {  	p0 =	sne.s32 s0, $0x0;
	s0 =	rddreg [dreg:$0x3]  }
0xd1: {  	s0 =	sadd.s32 @!p0 $0x100000, s0  }
0xd2: {  	[sflag:s0] =	ssyncadd.tile.s32 @!p0 $0x1;
	_ =	shalt  }
.Lfunc_end2:
_tile_overlayer_lowered:
.L_overlay_start_2:
0xd3: {  	(tag) =	ssettag $0x2  }
0xd4: {  	s0 =	rddreg [dreg:$0x0];
	s2 =	stileid.u32  }
0xd5: {  	s1 =	rddreg [dreg:$0x1];
	p0 =	sne.s32 s2, $0x0  }
0xd6: {  	s3 =	rddreg [dreg:$0x2];
	[bflag:$0x3] =	sbarrier.arrive $0xFFFF;
	s2 =	simm.s32 @!p0 $0x1C09  }
0xd7: {  	[timem:s3], [sflag:s2] =	dma.local @!p0 [hbm:s0], s1  }
0xd8: {  	s0 =	simm.s32 @!p0 $0x9  }
0xd9: {  	_ =	swait.ge @!p0 [sflag:s0], s1  }
0xda: {  	s1 =	ssub.s32 @!p0 $0x0, s1;
	[sflag:s0] =	ssyncset.done @!p0 $0x0  }
0xdb: {  	[sflag:s0] =	ssyncadd.s32 @!p0 s1  }
0xdc: {  	[bflag:$0x3] =	sbarrier.arrive $0xFFFF  }
0xdd: {  	_ =	shalt  }

</sc_bundles>
